<compile_context>
chip_gen: v7x
topology: tpu7x:2x2x1
jax: 0.10.2.dev20260603
libtpu: 0.0.44.dev20260713+nightly
codegen_flags: <defaults>
</compile_context>

<pallas_src>
import functools

import jax
import jax.numpy as jnp
from jax import lax
from jax.experimental import pallas as pl
from jax.experimental.pallas import tpu as pltpu
from jax.experimental.pallas import tpu_sc as plsc

_C = 100
_CP = 128
_A = 128
_L = 16
_NC = 2
_NS = 16
_NW = _NC * _NS
_B = 80
_NBUF = 5


def _sc_partials(features, labels, labels3d):
  n = features.shape[0]
  rows_per_w = n // _NW
  chunk = _B
  nch = rows_per_w // chunk
  assert nch % _NBUF == 0

  mesh = plsc.VectorSubcoreMesh(core_axis_name="c", subcore_axis_name="s")

  @functools.partial(
      pl.kernel,
      out_type=[
          jax.ShapeDtypeStruct((_NC, _CP, _A), jnp.float32),
          jax.ShapeDtypeStruct((_NW, _CP * _L), jnp.float32),
      ],
      mesh=mesh,
      compiler_params=pltpu.CompilerParams(needs_layout_passes=False),
      scratch_types=[
          pltpu.VMEM((rows_per_w + _L,), jnp.int32),
          pltpu.VMEM((nch, _B), jnp.int32),
          [pltpu.VMEM((chunk, _A), jnp.float32) for _ in range(_NBUF)],
          pltpu.VMEM((_CP, _A), jnp.float32),
          pltpu.VMEM_SHARED((_CP, _A), jnp.float32),
          pltpu.VMEM((_CP * _L,), jnp.float32),
          [pltpu.SemaphoreType.DMA for _ in range(_NBUF)],
          pltpu.SemaphoreType.DMA,
          pltpu.SemaphoreType.DMA,
      ],
  )
  def k(feat_hbm, lab_hbm, lab3d_hbm, out_sums, out_cnt,
        lab_v, lab2d, bufs, zbuf, acc_sh, cnt, sems, lsem, l3sem):
    cid = lax.axis_index("c")
    sid = lax.axis_index("s")
    wid = cid * _NS + sid
    base = wid * rows_per_w

    zeros = jnp.zeros((_L,), jnp.float32)

    lab2d_cp = pltpu.async_copy(lab3d_hbm.at[wid], lab2d, l3sem)
    lab_cp = pltpu.async_copy(lab_hbm.at[pl.ds(base, rows_per_w)],
                              lab_v.at[pl.ds(0, rows_per_w)], lsem)

    def start_dma(g, buf, sem):
      return pltpu.async_copy(
          feat_hbm.at[pl.ds(base + g * chunk, chunk)], buf, sem)

    def wait_dma(buf, sem):
      pltpu.make_async_copy(feat_hbm.at[pl.ds(base, chunk)], buf, sem).wait()

    for b in range(_NBUF):
      start_dma(b, bufs[b], sems[b])

    @pl.when(sid == 0)
    def _():
      def zero_acc(i, _):
        for j in range(_A // _L):
          zbuf[i, pl.ds(j * _L, _L)] = zeros
        return 0
      lax.fori_loop(0, _CP, zero_acc, 0)
      pltpu.sync_copy(zbuf, acc_sh)
    plsc.subcore_barrier()

    def zero_cnt(i, _):
      cnt[pl.ds(i * _L, _L)] = zeros
      return 0
    lax.fori_loop(0, _CP, zero_cnt, 0)

    lane = lax.iota(jnp.int32, _L)
    ones = jnp.ones((_L,), jnp.float32)

    lab_cp.wait()

    def cnt_body(g, _):
      lab16 = lab_v[pl.ds(g * _L, _L)]
      plsc.addupdate_scatter(cnt, [lab16 * _L + lane], ones)
      return 0
    lax.fori_loop(0, rows_per_w // _L, cnt_body, 0)

    lab2d_cp.wait()

    def chunk_body(h, _):
      for b in range(_NBUF):
        g = h * _NBUF + b
        wait_dma(bufs[b], sems[b])
        pltpu.sync_copy(bufs[b], acc_sh.at[lab2d.at[g]], add=True)

        @pl.when(g + _NBUF < nch)
        def _():
          start_dma(g + _NBUF, bufs[b], sems[b])
      return 0
    lax.fori_loop(0, nch // _NBUF, chunk_body, 0)

    plsc.subcore_barrier()
    @pl.when(sid == 0)
    def _():
      pltpu.sync_copy(acc_sh, out_sums.at[cid])
    pltpu.sync_copy(cnt, out_cnt.at[wid])

  return k(features, labels, labels3d)


def _combine_kernel(sums_ref, cnt_ref, out_ref):
  s = sums_ref[0] + sums_ref[1]
  c = jnp.sum(cnt_ref[...], axis=(0, 2))
  denom = jnp.where(c == 0.0, 1.0, c)
  out_ref[...] = (s / denom[:, None])[:_C]


def _combine(partial_sums, partial_cnt):
  return pl.pallas_call(
      _combine_kernel,
      out_shape=jax.ShapeDtypeStruct((_C, _A), jnp.float32),
  )(partial_sums, partial_cnt)


@jax.jit
def kernel(features, labels):
  labels3d = labels.reshape(_NW, -1, _B)
  partial_sums, partial_cnt = _sc_partials(features, labels, labels3d)
  partial_cnt = partial_cnt.reshape(_NW, _CP, _L)
  avg = _combine(partial_sums, partial_cnt)
  return lax.stop_gradient(avg)

# --- scband reference (transcript-rebuilt; emitter-appended) ---
"""Pipeline reference for scband-calculate-mean-24893630447945 (READ-ONLY COPY).

The authoritative reference and input builder live on the scoring server;
editing this copy changes nothing except your own understanding.
"""

import jax, jax.numpy as jnp
import numpy as np

NUM_CLASSES = 100
N = 320000
A = 128

def setup_inputs(seed: int = 0) -> dict:
    key = jax.random.key(seed)
    k1, k2 = jax.random.split(key)
    features = jax.random.normal(k1, (N, A), dtype=jnp.float32)
    labels = jax.random.randint(k2, (N,), 0, NUM_CLASSES, dtype=jnp.int32)
    return {"features": features, "labels": labels}

def reference(features, labels):
    # Faithful translation of CalculateMean_.__call__
    C = NUM_CLASSES
    n, a = features.shape
    # one-hot scatter (torch onehot.scatter_(1, labels, 1))
    onehot = jnp.zeros((n, C), dtype=features.dtype).at[jnp.arange(n), labels].set(1.0)
    # Amount_CxA = NxCxA_onehot.sum(0); all A columns equal the per-class count
    Amount_C = onehot.sum(axis=0)
    Amount_C = jnp.where(Amount_C == 0, 1.0, Amount_C)
    # per-class masked sum over N == segment_sum over labels (maps to SparseCore scatter-add)
    sums = jax.ops.segment_sum(features, labels, num_segments=C)
    avg_CxA = sums / Amount_C[:, None]
    # original returns avg_CxA.detach()
    return jax.lax.stop_gradient(avg_CxA)

if __name__ == "__main__":
    import jax
    _d = setup_inputs()
    print(jax.jit(kernel)(*tuple(_d.values())))

</pallas_src>

<mosaic_0001>
#map = affine_map<(d0, d1) -> (0, 0)>
#map1 = affine_map<(d0, d1) -> (0)>
#map2 = affine_map<(d0, d1) -> (0, 0, 0)>
module attributes {stable_mosaic.version = 14 : i64} {
  func.func @k(%arg0: i32, %arg1: i32, %arg2: memref<320000x128xf32, #tpu.memory_space<hbm>>, %arg3: memref<320000xi32, #tpu.memory_space<hbm>>, %arg4: memref<32x125x80xi32, #tpu.memory_space<hbm>>, %arg5: memref<2x128x128xf32, #tpu.memory_space<hbm>>, %arg6: memref<32x2048xf32, #tpu.memory_space<hbm>>, %arg7: memref<10016xi32, #tpu.memory_space<vmem>>, %arg8: memref<125x80xi32, #tpu.memory_space<vmem>>, %arg9: memref<80x128xf32, #tpu.memory_space<vmem>>, %arg10: memref<80x128xf32, #tpu.memory_space<vmem>>, %arg11: memref<80x128xf32, #tpu.memory_space<vmem>>, %arg12: memref<80x128xf32, #tpu.memory_space<vmem>>, %arg13: memref<80x128xf32, #tpu.memory_space<vmem>>, %arg14: memref<128x128xf32, #tpu.memory_space<vmem>>, %arg15: memref<128x128xf32, #tpu.memory_space<vmem_shared>>, %arg16: memref<2048xf32, #tpu.memory_space<vmem>>, %arg17: memref<!tpu.dma_semaphore, #tpu.memory_space<semaphore_mem>>, %arg18: memref<!tpu.dma_semaphore, #tpu.memory_space<semaphore_mem>>, %arg19: memref<!tpu.dma_semaphore, #tpu.memory_space<semaphore_mem>>, %arg20: memref<!tpu.dma_semaphore, #tpu.memory_space<semaphore_mem>>, %arg21: memref<!tpu.dma_semaphore, #tpu.memory_space<semaphore_mem>>, %arg22: memref<!tpu.dma_semaphore, #tpu.memory_space<semaphore_mem>>, %arg23: memref<!tpu.dma_semaphore, #tpu.memory_space<semaphore_mem>>) attributes {dimension_semantics = [#tpu.dimension_semantics<core_parallel>, #tpu.dimension_semantics<subcore_parallel>], iteration_bounds = array<i64: 2, 16>, scalar_prefetch = 0 : i64, scratch_operands = 17 : i64, tpu.core_type = #tpu.core_type<sc_vector_subcore>, window_params = [{transform_indices = #map}, {transform_indices = #map1}, {transform_indices = #map2}, {transform_indices = #map2}, {transform_indices = #map}]} {
    %mul3A = arith.constant 16 : i32
    %mul3A_0 = arith.muli %arg0, %mul3A : i32
    %add3A = arith.addi %mul3A_0, %arg1 : i32
    %mul3A_1 = arith.constant 10000 : i32
    %mul3A_2 = arith.muli %add3A, %mul3A_1 : i32
    %broadcast_in_dim3A = arith.constant 0.000000e+00 : f32
    %broadcast_in_dim3A_3 = vector.broadcast %broadcast_in_dim3A : f32 to vector<16xf32>
    %dma_start3A = arith.constant 0 : i32
    %dma_start3A_4 = arith.constant 0 : i32
    %dma_start3A_5 = tpu.memref_slice %arg4[%add3A, %dma_start3A, %dma_start3A_4] : memref<32x125x80xi32, #tpu.memory_space<hbm>> -> memref<1x125x80xi32, #tpu.memory_space<hbm>>
    %dma_start3A_6 = tpu.memref_squeeze %dma_start3A_5 : memref<1x125x80xi32, #tpu.memory_space<hbm>> -> memref<125x80xi32, #tpu.memory_space<hbm>>
    %dma_start3A_7 = arith.constant 0 : i32
    %dma_start3A_8 = arith.constant 0 : i32
    %dma_start3A_9 = tpu.memref_slice %arg4[%add3A, %dma_start3A_7, %dma_start3A_8] : memref<32x125x80xi32, #tpu.memory_space<hbm>> -> memref<1x125x80xi32, #tpu.memory_space<hbm>>
    %dma_start3A_10 = tpu.memref_squeeze %dma_start3A_9 : memref<1x125x80xi32, #tpu.memory_space<hbm>> -> memref<125x80xi32, #tpu.memory_space<hbm>>
    tpu.enqueue_dma source(%dma_start3A_10 : memref<125x80xi32, #tpu.memory_space<hbm>>) target(%arg8 : memref<125x80xi32, #tpu.memory_space<vmem>>) target_semaphore(%arg23 : memref<!tpu.dma_semaphore, #tpu.memory_space<semaphore_mem>>)
    %dma_start3A_11 = arith.constant 0 : i32
    %dma_start3A_12 = tpu.memref_slice %arg7[%dma_start3A_11] : memref<10016xi32, #tpu.memory_space<vmem>> -> memref<10000xi32, #tpu.memory_space<vmem>>
    %dma_start3A_13 = tpu.memref_slice %arg3[%mul3A_2] : memref<320000xi32, #tpu.memory_space<hbm>> -> memref<10000xi32, #tpu.memory_space<hbm>>
    %dma_start3A_14 = arith.constant 0 : i32
    %dma_start3A_15 = tpu.memref_slice %arg7[%dma_start3A_14] : memref<10016xi32, #tpu.memory_space<vmem>> -> memref<10000xi32, #tpu.memory_space<vmem>>
    %dma_start3A_16 = tpu.memref_slice %arg3[%mul3A_2] : memref<320000xi32, #tpu.memory_space<hbm>> -> memref<10000xi32, #tpu.memory_space<hbm>>
    tpu.enqueue_dma source(%dma_start3A_16 : memref<10000xi32, #tpu.memory_space<hbm>>) target(%dma_start3A_15 : memref<10000xi32, #tpu.memory_space<vmem>>) target_semaphore(%arg22 : memref<!tpu.dma_semaphore, #tpu.memory_space<semaphore_mem>>)
    %add3A_17 = arith.constant 0 : i32
    %add3A_18 = arith.addi %mul3A_2, %add3A_17 : i32
    %dma_start3A_19 = arith.constant 0 : i32
    %dma_start3A_20 = tpu.memref_slice %arg2[%add3A_18, %dma_start3A_19] : memref<320000x128xf32, #tpu.memory_space<hbm>> -> memref<80x128xf32, #tpu.memory_space<hbm>>
    %dma_start3A_21 = arith.constant 0 : i32
    %dma_start3A_22 = tpu.memref_slice %arg2[%add3A_18, %dma_start3A_21] : memref<320000x128xf32, #tpu.memory_space<hbm>> -> memref<80x128xf32, #tpu.memory_space<hbm>>
    tpu.enqueue_dma source(%dma_start3A_22 : memref<80x128xf32, #tpu.memory_space<hbm>>) target(%arg9 : memref<80x128xf32, #tpu.memory_space<vmem>>) target_semaphore(%arg17 : memref<!tpu.dma_semaphore, #tpu.memory_space<semaphore_mem>>)
    %add3A_23 = arith.constant 80 : i32
    %add3A_24 = arith.addi %mul3A_2, %add3A_23 : i32
    %dma_start3A_25 = arith.constant 0 : i32
    %dma_start3A_26 = tpu.memref_slice %arg2[%add3A_24, %dma_start3A_25] : memref<320000x128xf32, #tpu.memory_space<hbm>> -> memref<80x128xf32, #tpu.memory_space<hbm>>
    %dma_start3A_27 = arith.constant 0 : i32
    %dma_start3A_28 = tpu.memref_slice %arg2[%add3A_24, %dma_start3A_27] : memref<320000x128xf32, #tpu.memory_space<hbm>> -> memref<80x128xf32, #tpu.memory_space<hbm>>
    tpu.enqueue_dma source(%dma_start3A_28 : memref<80x128xf32, #tpu.memory_space<hbm>>) target(%arg10 : memref<80x128xf32, #tpu.memory_space<vmem>>) target_semaphore(%arg18 : memref<!tpu.dma_semaphore, #tpu.memory_space<semaphore_mem>>)
    %add3A_29 = arith.constant 160 : i32
    %add3A_30 = arith.addi %mul3A_2, %add3A_29 : i32
    %dma_start3A_31 = arith.constant 0 : i32
    %dma_start3A_32 = tpu.memref_slice %arg2[%add3A_30, %dma_start3A_31] : memref<320000x128xf32, #tpu.memory_space<hbm>> -> memref<80x128xf32, #tpu.memory_space<hbm>>
    %dma_start3A_33 = arith.constant 0 : i32
    %dma_start3A_34 = tpu.memref_slice %arg2[%add3A_30, %dma_start3A_33] : memref<320000x128xf32, #tpu.memory_space<hbm>> -> memref<80x128xf32, #tpu.memory_space<hbm>>
    tpu.enqueue_dma source(%dma_start3A_34 : memref<80x128xf32, #tpu.memory_space<hbm>>) target(%arg11 : memref<80x128xf32, #tpu.memory_space<vmem>>) target_semaphore(%arg19 : memref<!tpu.dma_semaphore, #tpu.memory_space<semaphore_mem>>)
    %add3A_35 = arith.constant 240 : i32
    %add3A_36 = arith.addi %mul3A_2, %add3A_35 : i32
    %dma_start3A_37 = arith.constant 0 : i32
    %dma_start3A_38 = tpu.memref_slice %arg2[%add3A_36, %dma_start3A_37] : memref<320000x128xf32, #tpu.memory_space<hbm>> -> memref<80x128xf32, #tpu.memory_space<hbm>>
    %dma_start3A_39 = arith.constant 0 : i32
    %dma_start3A_40 = tpu.memref_slice %arg2[%add3A_36, %dma_start3A_39] : memref<320000x128xf32, #tpu.memory_space<hbm>> -> memref<80x128xf32, #tpu.memory_space<hbm>>
    tpu.enqueue_dma source(%dma_start3A_40 : memref<80x128xf32, #tpu.memory_space<hbm>>) target(%arg12 : memref<80x128xf32, #tpu.memory_space<vmem>>) target_semaphore(%arg20 : memref<!tpu.dma_semaphore, #tpu.memory_space<semaphore_mem>>)
    %add3A_41 = arith.constant 320 : i32
    %add3A_42 = arith.addi %mul3A_2, %add3A_41 : i32
    %dma_start3A_43 = arith.constant 0 : i32
    %dma_start3A_44 = tpu.memref_slice %arg2[%add3A_42, %dma_start3A_43] : memref<320000x128xf32, #tpu.memory_space<hbm>> -> memref<80x128xf32, #tpu.memory_space<hbm>>
    %dma_start3A_45 = arith.constant 0 : i32
    %dma_start3A_46 = tpu.memref_slice %arg2[%add3A_42, %dma_start3A_45] : memref<320000x128xf32, #tpu.memory_space<hbm>> -> memref<80x128xf32, #tpu.memory_space<hbm>>
    tpu.enqueue_dma source(%dma_start3A_46 : memref<80x128xf32, #tpu.memory_space<hbm>>) target(%arg13 : memref<80x128xf32, #tpu.memory_space<vmem>>) target_semaphore(%arg21 : memref<!tpu.dma_semaphore, #tpu.memory_space<semaphore_mem>>)
    %eq3A = arith.constant 0 : i32
    %eq3A_47 = arith.cmpi eq, %arg1, %eq3A : i32
    %convert_element_type3A = arith.extui %eq3A_47 : i1 to i32
    %cond3A = arith.constant 0 : i32
    %cond3A_48 = arith.cmpi ne, %convert_element_type3A, %cond3A : i32
    scf.if %cond3A_48 {
      %scan3A_90 = arith.constant 0 : i32
      %scan3A_91 = arith.constant 0 : i32
      %scan3A_92 = arith.constant 128 : i32
      %scan3A_93 = arith.addi %scan3A_91, %scan3A_92 : i32
      %scan3A_94 = arith.constant 1 : i32
      %scan3A_95 = scf.for %scan3A_97 = %scan3A_91 to %scan3A_93 step %scan3A_94 iter_args(%scan3A_98 = %scan3A_90) -> (i32)  : i32 {
        %swap3A = arith.index_cast %scan3A_97 : i32 to index
        %swap3A_99 = arith.constant 0 : index
        %swap3A_100 = tpu.vector_load %arg14[%swap3A, %swap3A_99] {strides = array<i32>} : memref<128x128xf32, #tpu.memory_space<vmem>>, vector<16xf32>,
        tpu.vector_store %arg14[%swap3A, %swap3A_99], %broadcast_in_dim3A_3 {strides = array<i32>} : memref<128x128xf32, #tpu.memory_space<vmem>>, vector<16xf32>,
        %swap3A_101 = arith.index_cast %scan3A_97 : i32 to index
        %swap3A_102 = arith.constant 16 : index
        %swap3A_103 = tpu.vector_load %arg14[%swap3A_101, %swap3A_102] {strides = array<i32>} : memref<128x128xf32, #tpu.memory_space<vmem>>, vector<16xf32>,
        tpu.vector_store %arg14[%swap3A_101, %swap3A_102], %broadcast_in_dim3A_3 {strides = array<i32>} : memref<128x128xf32, #tpu.memory_space<vmem>>, vector<16xf32>,
        %swap3A_104 = arith.index_cast %scan3A_97 : i32 to index
        %swap3A_105 = arith.constant 32 : index
        %swap3A_106 = tpu.vector_load %arg14[%swap3A_104, %swap3A_105] {strides = array<i32>} : memref<128x128xf32, #tpu.memory_space<vmem>>, vector<16xf32>,
        tpu.vector_store %arg14[%swap3A_104, %swap3A_105], %broadcast_in_dim3A_3 {strides = array<i32>} : memref<128x128xf32, #tpu.memory_space<vmem>>, vector<16xf32>,
        %swap3A_107 = arith.index_cast %scan3A_97 : i32 to index
        %swap3A_108 = arith.constant 48 : index
        %swap3A_109 = tpu.vector_load %arg14[%swap3A_107, %swap3A_108] {strides = array<i32>} : memref<128x128xf32, #tpu.memory_space<vmem>>, vector<16xf32>,
        tpu.vector_store %arg14[%swap3A_107, %swap3A_108], %broadcast_in_dim3A_3 {strides = array<i32>} : memref<128x128xf32, #tpu.memory_space<vmem>>, vector<16xf32>,
        %swap3A_110 = arith.index_cast %scan3A_97 : i32 to index
        %swap3A_111 = arith.constant 64 : index
        %swap3A_112 = tpu.vector_load %arg14[%swap3A_110, %swap3A_111] {strides = array<i32>} : memref<128x128xf32, #tpu.memory_space<vmem>>, vector<16xf32>,
        tpu.vector_store %arg14[%swap3A_110, %swap3A_111], %broadcast_in_dim3A_3 {strides = array<i32>} : memref<128x128xf32, #tpu.memory_space<vmem>>, vector<16xf32>,
        %swap3A_113 = arith.index_cast %scan3A_97 : i32 to index
        %swap3A_114 = arith.constant 80 : index
        %swap3A_115 = tpu.vector_load %arg14[%swap3A_113, %swap3A_114] {strides = array<i32>} : memref<128x128xf32, #tpu.memory_space<vmem>>, vector<16xf32>,
        tpu.vector_store %arg14[%swap3A_113, %swap3A_114], %broadcast_in_dim3A_3 {strides = array<i32>} : memref<128x128xf32, #tpu.memory_space<vmem>>, vector<16xf32>,
        %swap3A_116 = arith.index_cast %scan3A_97 : i32 to index
        %swap3A_117 = arith.constant 96 : index
        %swap3A_118 = tpu.vector_load %arg14[%swap3A_116, %swap3A_117] {strides = array<i32>} : memref<128x128xf32, #tpu.memory_space<vmem>>, vector<16xf32>,
        tpu.vector_store %arg14[%swap3A_116, %swap3A_117], %broadcast_in_dim3A_3 {strides = array<i32>} : memref<128x128xf32, #tpu.memory_space<vmem>>, vector<16xf32>,
        %swap3A_119 = arith.index_cast %scan3A_97 : i32 to index
        %swap3A_120 = arith.constant 112 : index
        %swap3A_121 = tpu.vector_load %arg14[%swap3A_119, %swap3A_120] {strides = array<i32>} : memref<128x128xf32, #tpu.memory_space<vmem>>, vector<16xf32>,
        tpu.vector_store %arg14[%swap3A_119, %swap3A_120], %broadcast_in_dim3A_3 {strides = array<i32>} : memref<128x128xf32, #tpu.memory_space<vmem>>, vector<16xf32>,
        %scan3A_122 = arith.constant 0 : i32
        scf.yield %scan3A_122 : i32
      }
      %scan3A_96 = arith.constant 128 : i32
      "tpu.region"() ({
        %run_scoped3A = tpu.sem_alloc : memref<!tpu.dma_semaphore, #tpu.memory_space<semaphore_mem>>
        tpu.enqueue_dma source(%arg14 : memref<128x128xf32, #tpu.memory_space<vmem>>) target(%arg15 : memref<128x128xf32, #tpu.memory_space<vmem_shared>>) target_semaphore(%run_scoped3A : memref<!tpu.dma_semaphore, #tpu.memory_space<semaphore_mem>>)
        tpu.wait_dma2 semaphore(%run_scoped3A : memref<!tpu.dma_semaphore, #tpu.memory_space<semaphore_mem>>) src(%arg14 : memref<128x128xf32, #tpu.memory_space<vmem>>) dst(%arg15 : memref<128x128xf32, #tpu.memory_space<vmem_shared>>)
        tpu.yield
      }) : () -> ()
    } else {
    }
    %barrier3A = arith.constant 0 : index
    tpu.barrier barrier_id(%barrier3A)
    %scan3A = arith.constant 0 : i32
    %scan3A_49 = arith.constant 0 : i32
    %scan3A_50 = arith.constant 128 : i32
    %scan3A_51 = arith.addi %scan3A_49, %scan3A_50 : i32
    %scan3A_52 = arith.constant 1 : i32
    %scan3A_53 = scf.for %scan3A_90 = %scan3A_49 to %scan3A_51 step %scan3A_52 iter_args(%scan3A_91 = %scan3A) -> (i32)  : i32 {
      %mul3A_92 = arith.constant 16 : i32
      %mul3A_93 = arith.muli %scan3A_90, %mul3A_92 : i32
      %swap3A = arith.index_cast %mul3A_93 : i32 to index
      %swap3A_94 = tpu.vector_load %arg16[%swap3A] {strides = array<i32>} : memref<2048xf32, #tpu.memory_space<vmem>>, vector<16xf32>,
      tpu.vector_store %arg16[%swap3A], %broadcast_in_dim3A_3 {strides = array<i32>} : memref<2048xf32, #tpu.memory_space<vmem>>, vector<16xf32>,
      %scan3A_95 = arith.constant 0 : i32
      scf.yield %scan3A_95 : i32
    }
    %scan3A_54 = arith.constant 128 : i32
    %iota3A = tpu.iota {dimensions = array<i32: 0>} : vector<16xi32>
    %broadcast_in_dim3A_55 = arith.constant 1.000000e+00 : f32
    %broadcast_in_dim3A_56 = vector.broadcast %broadcast_in_dim3A_55 : f32 to vector<16xf32>
    %dma_wait3A = arith.constant 0 : i32
    %dma_wait3A_57 = tpu.memref_slice %arg7[%dma_wait3A] : memref<10016xi32, #tpu.memory_space<vmem>> -> memref<10000xi32, #tpu.memory_space<vmem>>
    %dma_wait3A_58 = tpu.memref_slice %arg3[%mul3A_2] : memref<320000xi32, #tpu.memory_space<hbm>> -> memref<10000xi32, #tpu.memory_space<hbm>>
    %dma_wait3A_59 = arith.constant 0 : i32
    %dma_wait3A_60 = tpu.memref_slice %arg7[%dma_wait3A_59] : memref<10016xi32, #tpu.memory_space<vmem>> -> memref<10000xi32, #tpu.memory_space<vmem>>
    %dma_wait3A_61 = tpu.memref_slice %arg3[%mul3A_2] : memref<320000xi32, #tpu.memory_space<hbm>> -> memref<10000xi32, #tpu.memory_space<hbm>>
    tpu.wait_dma2 semaphore(%arg22 : memref<!tpu.dma_semaphore, #tpu.memory_space<semaphore_mem>>) src(%dma_wait3A_61 : memref<10000xi32, #tpu.memory_space<hbm>>) dst(%dma_wait3A_60 : memref<10000xi32, #tpu.memory_space<vmem>>)
    %scan3A_62 = arith.constant 0 : i32
    %scan3A_63 = arith.constant 0 : i32
    %scan3A_64 = arith.constant 625 : i32
    %scan3A_65 = arith.addi %scan3A_63, %scan3A_64 : i32
    %scan3A_66 = arith.constant 1 : i32
    %scan3A_67 = scf.for %scan3A_90 = %scan3A_63 to %scan3A_65 step %scan3A_66 iter_args(%scan3A_91 = %scan3A_62) -> (i32)  : i32 {
      %mul3A_92 = arith.constant 16 : i32
      %mul3A_93 = arith.muli %scan3A_90, %mul3A_92 : i32
      %get3A = arith.index_cast %mul3A_93 : i32 to index
      %get3A_94 = tpu.vector_load %arg7[%get3A] {strides = array<i32>} : memref<10016xi32, #tpu.memory_space<vmem>>, vector<16xi32>,
      %mul3A_95 = arith.constant 16 : i32
      %mul3A_96 = vector.broadcast %mul3A_95 : i32 to vector<16xi32>
      %mul3A_97 = arith.muli %get3A_94, %mul3A_96 : vector<16xi32>
      %add3A_98 = arith.addi %mul3A_97, %iota3A : vector<16xi32>
      tpu.vector_store_idx %arg16[%add3A_98], %broadcast_in_dim3A_56 {add = true} : memref<2048xf32, #tpu.memory_space<vmem>>[vector<16xi32>], vector<16xf32>,
      %scan3A_99 = arith.constant 0 : i32
      scf.yield %scan3A_99 : i32
    }
    %scan3A_68 = arith.constant 625 : i32
    %dma_wait3A_69 = arith.constant 0 : i32
    %dma_wait3A_70 = arith.constant 0 : i32
    %dma_wait3A_71 = tpu.memref_slice %arg4[%add3A, %dma_wait3A_69, %dma_wait3A_70] : memref<32x125x80xi32, #tpu.memory_space<hbm>> -> memref<1x125x80xi32, #tpu.memory_space<hbm>>
    %dma_wait3A_72 = tpu.memref_squeeze %dma_wait3A_71 : memref<1x125x80xi32, #tpu.memory_space<hbm>> -> memref<125x80xi32, #tpu.memory_space<hbm>>
    %dma_wait3A_73 = arith.constant 0 : i32
    %dma_wait3A_74 = arith.constant 0 : i32
    %dma_wait3A_75 = tpu.memref_slice %arg4[%add3A, %dma_wait3A_73, %dma_wait3A_74] : memref<32x125x80xi32, #tpu.memory_space<hbm>> -> memref<1x125x80xi32, #tpu.memory_space<hbm>>
    %dma_wait3A_76 = tpu.memref_squeeze %dma_wait3A_75 : memref<1x125x80xi32, #tpu.memory_space<hbm>> -> memref<125x80xi32, #tpu.memory_space<hbm>>
    tpu.wait_dma2 semaphore(%arg23 : memref<!tpu.dma_semaphore, #tpu.memory_space<semaphore_mem>>) src(%dma_wait3A_76 : memref<125x80xi32, #tpu.memory_space<hbm>>) dst(%arg8 : memref<125x80xi32, #tpu.memory_space<vmem>>)
    %scan3A_77 = arith.constant 0 : i32
    %scan3A_78 = arith.constant 0 : i32
    %scan3A_79 = arith.constant 25 : i32
    %scan3A_80 = arith.addi %scan3A_78, %scan3A_79 : i32
    %scan3A_81 = arith.constant 1 : i32
    %scan3A_82 = scf.for %scan3A_90 = %scan3A_78 to %scan3A_80 step %scan3A_81 iter_args(%scan3A_91 = %scan3A_77) -> (i32)  : i32 {
      %mul3A_92 = arith.constant 5 : i32
      %mul3A_93 = arith.muli %scan3A_90, %mul3A_92 : i32
      %add3A_94 = arith.constant 0 : i32
      %add3A_95 = arith.addi %mul3A_93, %add3A_94 : i32
      %dma_wait3A_96 = arith.constant 0 : i32
      %dma_wait3A_97 = tpu.memref_slice %arg2[%mul3A_2, %dma_wait3A_96] : memref<320000x128xf32, #tpu.memory_space<hbm>> -> memref<80x128xf32, #tpu.memory_space<hbm>>
      %dma_wait3A_98 = arith.constant 0 : i32
      %dma_wait3A_99 = tpu.memref_slice %arg2[%mul3A_2, %dma_wait3A_98] : memref<320000x128xf32, #tpu.memory_space<hbm>> -> memref<80x128xf32, #tpu.memory_space<hbm>>
      tpu.wait_dma2 semaphore(%arg17 : memref<!tpu.dma_semaphore, #tpu.memory_space<semaphore_mem>>) src(%dma_wait3A_99 : memref<80x128xf32, #tpu.memory_space<hbm>>) dst(%arg9 : memref<80x128xf32, #tpu.memory_space<vmem>>)
      "tpu.region"() ({
        %run_scoped3A = tpu.sem_alloc : memref<!tpu.dma_semaphore, #tpu.memory_space<semaphore_mem>>
        %dma_start3A_167 = arith.constant 0 : i32
        %dma_start3A_168 = tpu.memref_slice %arg8[%add3A_95, %dma_start3A_167] : memref<125x80xi32, #tpu.memory_space<vmem>> -> memref<1x80xi32, #tpu.memory_space<vmem>>
        %dma_start3A_169 = tpu.memref_squeeze %dma_start3A_168 : memref<1x80xi32, #tpu.memory_space<vmem>> -> memref<80xi32, #tpu.memory_space<vmem>>
        %dma_start3A_170 = arith.constant 0 : i32
        %dma_start3A_171 = arith.constant 0 : i32
        %dma_start3A_172 = tpu.memref_slice %arg15[%dma_start3A_170, %dma_start3A_171] : memref<128x128xf32, #tpu.memory_space<vmem_shared>> -> memref<128x128xf32, #tpu.memory_space<vmem_shared>>
        tpu.enqueue_indirect_dma source(%arg9 : memref<80x128xf32, #tpu.memory_space<vmem>>) target(%dma_start3A_172 : memref<128x128xf32, #tpu.memory_space<vmem_shared>>) offsets(%dma_start3A_169 : memref<80xi32, #tpu.memory_space<vmem>>) semaphore(%run_scoped3A : memref<!tpu.dma_semaphore, #tpu.memory_space<semaphore_mem>>) {add = true}
        %dma_wait3A_173 = arith.constant 0 : i32
        %dma_wait3A_174 = tpu.memref_slice %arg8[%add3A_95, %dma_wait3A_173] : memref<125x80xi32, #tpu.memory_space<vmem>> -> memref<1x80xi32, #tpu.memory_space<vmem>>
        %dma_wait3A_175 = tpu.memref_squeeze %dma_wait3A_174 : memref<1x80xi32, #tpu.memory_space<vmem>> -> memref<80xi32, #tpu.memory_space<vmem>>
        %dma_wait3A_176 = arith.constant 0 : i32
        %dma_wait3A_177 = arith.constant 0 : i32
        %dma_wait3A_178 = tpu.memref_slice %arg15[%dma_wait3A_176, %dma_wait3A_177] : memref<128x128xf32, #tpu.memory_space<vmem_shared>> -> memref<128x128xf32, #tpu.memory_space<vmem_shared>>
        tpu.wait_indirect_dma semaphore(%run_scoped3A : memref<!tpu.dma_semaphore, #tpu.memory_space<semaphore_mem>>) src(%arg9 : memref<80x128xf32, #tpu.memory_space<vmem>>) dst(%dma_wait3A_178 : memref<128x128xf32, #tpu.memory_space<vmem_shared>>)
        tpu.yield
      }) : () -> ()
      %add3A_100 = arith.constant 5 : i32
      %add3A_101 = arith.addi %add3A_95, %add3A_100 : i32
      %lt3A = arith.constant 125 : i32
      %lt3A_102 = arith.cmpi slt, %add3A_101, %lt3A : i32
      %convert_element_type3A_103 = arith.extui %lt3A_102 : i1 to i32
      %cond3A_104 = arith.constant 0 : i32
      %cond3A_105 = arith.cmpi ne, %convert_element_type3A_103, %cond3A_104 : i32
      scf.if %cond3A_105 {
        %add3A_167 = arith.constant 5 : i32
        %add3A_168 = arith.addi %add3A_95, %add3A_167 : i32
        %mul3A_169 = arith.constant 80 : i32
        %mul3A_170 = arith.muli %add3A_168, %mul3A_169 : i32
        %add3A_171 = arith.addi %mul3A_2, %mul3A_170 : i32
        %dma_start3A_172 = arith.constant 0 : i32
        %dma_start3A_173 = tpu.memref_slice %arg2[%add3A_171, %dma_start3A_172] : memref<320000x128xf32, #tpu.memory_space<hbm>> -> memref<80x128xf32, #tpu.memory_space<hbm>>
        %dma_start3A_174 = arith.constant 0 : i32
        %dma_start3A_175 = tpu.memref_slice %arg2[%add3A_171, %dma_start3A_174] : memref<320000x128xf32, #tpu.memory_space<hbm>> -> memref<80x128xf32, #tpu.memory_space<hbm>>
        tpu.enqueue_dma source(%dma_start3A_175 : memref<80x128xf32, #tpu.memory_space<hbm>>) target(%arg9 : memref<80x128xf32, #tpu.memory_space<vmem>>) target_semaphore(%arg17 : memref<!tpu.dma_semaphore, #tpu.memory_space<semaphore_mem>>)
      } else {
      }
      %mul3A_106 = arith.constant 5 : i32
      %mul3A_107 = arith.muli %scan3A_90, %mul3A_106 : i32
      %add3A_108 = arith.constant 1 : i32
      %add3A_109 = arith.addi %mul3A_107, %add3A_108 : i32
      %dma_wait3A_110 = arith.constant 0 : i32
      %dma_wait3A_111 = tpu.memref_slice %arg2[%mul3A_2, %dma_wait3A_110] : memref<320000x128xf32, #tpu.memory_space<hbm>> -> memref<80x128xf32, #tpu.memory_space<hbm>>
      %dma_wait3A_112 = arith.constant 0 : i32
      %dma_wait3A_113 = tpu.memref_slice %arg2[%mul3A_2, %dma_wait3A_112] : memref<320000x128xf32, #tpu.memory_space<hbm>> -> memref<80x128xf32, #tpu.memory_space<hbm>>
      tpu.wait_dma2 semaphore(%arg18 : memref<!tpu.dma_semaphore, #tpu.memory_space<semaphore_mem>>) src(%dma_wait3A_113 : memref<80x128xf32, #tpu.memory_space<hbm>>) dst(%arg10 : memref<80x128xf32, #tpu.memory_space<vmem>>)
      "tpu.region"() ({
        %run_scoped3A = tpu.sem_alloc : memref<!tpu.dma_semaphore, #tpu.memory_space<semaphore_mem>>
        %dma_start3A_167 = arith.constant 0 : i32
        %dma_start3A_168 = tpu.memref_slice %arg8[%add3A_109, %dma_start3A_167] : memref<125x80xi32, #tpu.memory_space<vmem>> -> memref<1x80xi32, #tpu.memory_space<vmem>>
        %dma_start3A_169 = tpu.memref_squeeze %dma_start3A_168 : memref<1x80xi32, #tpu.memory_space<vmem>> -> memref<80xi32, #tpu.memory_space<vmem>>
        %dma_start3A_170 = arith.constant 0 : i32
        %dma_start3A_171 = arith.constant 0 : i32
        %dma_start3A_172 = tpu.memref_slice %arg15[%dma_start3A_170, %dma_start3A_171] : memref<128x128xf32, #tpu.memory_space<vmem_shared>> -> memref<128x128xf32, #tpu.memory_space<vmem_shared>>
        tpu.enqueue_indirect_dma source(%arg10 : memref<80x128xf32, #tpu.memory_space<vmem>>) target(%dma_start3A_172 : memref<128x128xf32, #tpu.memory_space<vmem_shared>>) offsets(%dma_start3A_169 : memref<80xi32, #tpu.memory_space<vmem>>) semaphore(%run_scoped3A : memref<!tpu.dma_semaphore, #tpu.memory_space<semaphore_mem>>) {add = true}
        %dma_wait3A_173 = arith.constant 0 : i32
        %dma_wait3A_174 = tpu.memref_slice %arg8[%add3A_109, %dma_wait3A_173] : memref<125x80xi32, #tpu.memory_space<vmem>> -> memref<1x80xi32, #tpu.memory_space<vmem>>
        %dma_wait3A_175 = tpu.memref_squeeze %dma_wait3A_174 : memref<1x80xi32, #tpu.memory_space<vmem>> -> memref<80xi32, #tpu.memory_space<vmem>>
        %dma_wait3A_176 = arith.constant 0 : i32
        %dma_wait3A_177 = arith.constant 0 : i32
        %dma_wait3A_178 = tpu.memref_slice %arg15[%dma_wait3A_176, %dma_wait3A_177] : memref<128x128xf32, #tpu.memory_space<vmem_shared>> -> memref<128x128xf32, #tpu.memory_space<vmem_shared>>
        tpu.wait_indirect_dma semaphore(%run_scoped3A : memref<!tpu.dma_semaphore, #tpu.memory_space<semaphore_mem>>) src(%arg10 : memref<80x128xf32, #tpu.memory_space<vmem>>) dst(%dma_wait3A_178 : memref<128x128xf32, #tpu.memory_space<vmem_shared>>)
        tpu.yield
      }) : () -> ()
      %add3A_114 = arith.constant 5 : i32
      %add3A_115 = arith.addi %add3A_109, %add3A_114 : i32
      %lt3A_116 = arith.constant 125 : i32
      %lt3A_117 = arith.cmpi slt, %add3A_115, %lt3A_116 : i32
      %convert_element_type3A_118 = arith.extui %lt3A_117 : i1 to i32
      %cond3A_119 = arith.constant 0 : i32
      %cond3A_120 = arith.cmpi ne, %convert_element_type3A_118, %cond3A_119 : i32
      scf.if %cond3A_120 {
        %add3A_167 = arith.constant 5 : i32
        %add3A_168 = arith.addi %add3A_109, %add3A_167 : i32
        %mul3A_169 = arith.constant 80 : i32
        %mul3A_170 = arith.muli %add3A_168, %mul3A_169 : i32
        %add3A_171 = arith.addi %mul3A_2, %mul3A_170 : i32
        %dma_start3A_172 = arith.constant 0 : i32
        %dma_start3A_173 = tpu.memref_slice %arg2[%add3A_171, %dma_start3A_172] : memref<320000x128xf32, #tpu.memory_space<hbm>> -> memref<80x128xf32, #tpu.memory_space<hbm>>
        %dma_start3A_174 = arith.constant 0 : i32
        %dma_start3A_175 = tpu.memref_slice %arg2[%add3A_171, %dma_start3A_174] : memref<320000x128xf32, #tpu.memory_space<hbm>> -> memref<80x128xf32, #tpu.memory_space<hbm>>
        tpu.enqueue_dma source(%dma_start3A_175 : memref<80x128xf32, #tpu.memory_space<hbm>>) target(%arg10 : memref<80x128xf32, #tpu.memory_space<vmem>>) target_semaphore(%arg18 : memref<!tpu.dma_semaphore, #tpu.memory_space<semaphore_mem>>)
      } else {
      }
      %mul3A_121 = arith.constant 5 : i32
      %mul3A_122 = arith.muli %scan3A_90, %mul3A_121 : i32
      %add3A_123 = arith.constant 2 : i32
      %add3A_124 = arith.addi %mul3A_122, %add3A_123 : i32
      %dma_wait3A_125 = arith.constant 0 : i32
      %dma_wait3A_126 = tpu.memref_slice %arg2[%mul3A_2, %dma_wait3A_125] : memref<320000x128xf32, #tpu.memory_space<hbm>> -> memref<80x128xf32, #tpu.memory_space<hbm>>
      %dma_wait3A_127 = arith.constant 0 : i32
      %dma_wait3A_128 = tpu.memref_slice %arg2[%mul3A_2, %dma_wait3A_127] : memref<320000x128xf32, #tpu.memory_space<hbm>> -> memref<80x128xf32, #tpu.memory_space<hbm>>
      tpu.wait_dma2 semaphore(%arg19 : memref<!tpu.dma_semaphore, #tpu.memory_space<semaphore_mem>>) src(%dma_wait3A_128 : memref<80x128xf32, #tpu.memory_space<hbm>>) dst(%arg11 : memref<80x128xf32, #tpu.memory_space<vmem>>)
      "tpu.region"() ({
        %run_scoped3A = tpu.sem_alloc : memref<!tpu.dma_semaphore, #tpu.memory_space<semaphore_mem>>
        %dma_start3A_167 = arith.constant 0 : i32
        %dma_start3A_168 = tpu.memref_slice %arg8[%add3A_124, %dma_start3A_167] : memref<125x80xi32, #tpu.memory_space<vmem>> -> memref<1x80xi32, #tpu.memory_space<vmem>>
        %dma_start3A_169 = tpu.memref_squeeze %dma_start3A_168 : memref<1x80xi32, #tpu.memory_space<vmem>> -> memref<80xi32, #tpu.memory_space<vmem>>
        %dma_start3A_170 = arith.constant 0 : i32
        %dma_start3A_171 = arith.constant 0 : i32
        %dma_start3A_172 = tpu.memref_slice %arg15[%dma_start3A_170, %dma_start3A_171] : memref<128x128xf32, #tpu.memory_space<vmem_shared>> -> memref<128x128xf32, #tpu.memory_space<vmem_shared>>
        tpu.enqueue_indirect_dma source(%arg11 : memref<80x128xf32, #tpu.memory_space<vmem>>) target(%dma_start3A_172 : memref<128x128xf32, #tpu.memory_space<vmem_shared>>) offsets(%dma_start3A_169 : memref<80xi32, #tpu.memory_space<vmem>>) semaphore(%run_scoped3A : memref<!tpu.dma_semaphore, #tpu.memory_space<semaphore_mem>>) {add = true}
        %dma_wait3A_173 = arith.constant 0 : i32
        %dma_wait3A_174 = tpu.memref_slice %arg8[%add3A_124, %dma_wait3A_173] : memref<125x80xi32, #tpu.memory_space<vmem>> -> memref<1x80xi32, #tpu.memory_space<vmem>>
        %dma_wait3A_175 = tpu.memref_squeeze %dma_wait3A_174 : memref<1x80xi32, #tpu.memory_space<vmem>> -> memref<80xi32, #tpu.memory_space<vmem>>
        %dma_wait3A_176 = arith.constant 0 : i32
        %dma_wait3A_177 = arith.constant 0 : i32
        %dma_wait3A_178 = tpu.memref_slice %arg15[%dma_wait3A_176, %dma_wait3A_177] : memref<128x128xf32, #tpu.memory_space<vmem_shared>> -> memref<128x128xf32, #tpu.memory_space<vmem_shared>>
        tpu.wait_indirect_dma semaphore(%run_scoped3A : memref<!tpu.dma_semaphore, #tpu.memory_space<semaphore_mem>>) src(%arg11 : memref<80x128xf32, #tpu.memory_space<vmem>>) dst(%dma_wait3A_178 : memref<128x128xf32, #tpu.memory_space<vmem_shared>>)
        tpu.yield
      }) : () -> ()
      %add3A_129 = arith.constant 5 : i32
      %add3A_130 = arith.addi %add3A_124, %add3A_129 : i32
      %lt3A_131 = arith.constant 125 : i32
      %lt3A_132 = arith.cmpi slt, %add3A_130, %lt3A_131 : i32
      %convert_element_type3A_133 = arith.extui %lt3A_132 : i1 to i32
      %cond3A_134 = arith.constant 0 : i32
      %cond3A_135 = arith.cmpi ne, %convert_element_type3A_133, %cond3A_134 : i32
      scf.if %cond3A_135 {
        %add3A_167 = arith.constant 5 : i32
        %add3A_168 = arith.addi %add3A_124, %add3A_167 : i32
        %mul3A_169 = arith.constant 80 : i32
        %mul3A_170 = arith.muli %add3A_168, %mul3A_169 : i32
        %add3A_171 = arith.addi %mul3A_2, %mul3A_170 : i32
        %dma_start3A_172 = arith.constant 0 : i32
        %dma_start3A_173 = tpu.memref_slice %arg2[%add3A_171, %dma_start3A_172] : memref<320000x128xf32, #tpu.memory_space<hbm>> -> memref<80x128xf32, #tpu.memory_space<hbm>>
        %dma_start3A_174 = arith.constant 0 : i32
        %dma_start3A_175 = tpu.memref_slice %arg2[%add3A_171, %dma_start3A_174] : memref<320000x128xf32, #tpu.memory_space<hbm>> -> memref<80x128xf32, #tpu.memory_space<hbm>>
        tpu.enqueue_dma source(%dma_start3A_175 : memref<80x128xf32, #tpu.memory_space<hbm>>) target(%arg11 : memref<80x128xf32, #tpu.memory_space<vmem>>) target_semaphore(%arg19 : memref<!tpu.dma_semaphore, #tpu.memory_space<semaphore_mem>>)
      } else {
      }
      %mul3A_136 = arith.constant 5 : i32
      %mul3A_137 = arith.muli %scan3A_90, %mul3A_136 : i32
      %add3A_138 = arith.constant 3 : i32
      %add3A_139 = arith.addi %mul3A_137, %add3A_138 : i32
      %dma_wait3A_140 = arith.constant 0 : i32
      %dma_wait3A_141 = tpu.memref_slice %arg2[%mul3A_2, %dma_wait3A_140] : memref<320000x128xf32, #tpu.memory_space<hbm>> -> memref<80x128xf32, #tpu.memory_space<hbm>>
      %dma_wait3A_142 = arith.constant 0 : i32
      %dma_wait3A_143 = tpu.memref_slice %arg2[%mul3A_2, %dma_wait3A_142] : memref<320000x128xf32, #tpu.memory_space<hbm>> -> memref<80x128xf32, #tpu.memory_space<hbm>>
      tpu.wait_dma2 semaphore(%arg20 : memref<!tpu.dma_semaphore, #tpu.memory_space<semaphore_mem>>) src(%dma_wait3A_143 : memref<80x128xf32, #tpu.memory_space<hbm>>) dst(%arg12 : memref<80x128xf32, #tpu.memory_space<vmem>>)
      "tpu.region"() ({
        %run_scoped3A = tpu.sem_alloc : memref<!tpu.dma_semaphore, #tpu.memory_space<semaphore_mem>>
        %dma_start3A_167 = arith.constant 0 : i32
        %dma_start3A_168 = tpu.memref_slice %arg8[%add3A_139, %dma_start3A_167] : memref<125x80xi32, #tpu.memory_space<vmem>> -> memref<1x80xi32, #tpu.memory_space<vmem>>
        %dma_start3A_169 = tpu.memref_squeeze %dma_start3A_168 : memref<1x80xi32, #tpu.memory_space<vmem>> -> memref<80xi32, #tpu.memory_space<vmem>>
        %dma_start3A_170 = arith.constant 0 : i32
        %dma_start3A_171 = arith.constant 0 : i32
        %dma_start3A_172 = tpu.memref_slice %arg15[%dma_start3A_170, %dma_start3A_171] : memref<128x128xf32, #tpu.memory_space<vmem_shared>> -> memref<128x128xf32, #tpu.memory_space<vmem_shared>>
        tpu.enqueue_indirect_dma source(%arg12 : memref<80x128xf32, #tpu.memory_space<vmem>>) target(%dma_start3A_172 : memref<128x128xf32, #tpu.memory_space<vmem_shared>>) offsets(%dma_start3A_169 : memref<80xi32, #tpu.memory_space<vmem>>) semaphore(%run_scoped3A : memref<!tpu.dma_semaphore, #tpu.memory_space<semaphore_mem>>) {add = true}
        %dma_wait3A_173 = arith.constant 0 : i32
        %dma_wait3A_174 = tpu.memref_slice %arg8[%add3A_139, %dma_wait3A_173] : memref<125x80xi32, #tpu.memory_space<vmem>> -> memref<1x80xi32, #tpu.memory_space<vmem>>
        %dma_wait3A_175 = tpu.memref_squeeze %dma_wait3A_174 : memref<1x80xi32, #tpu.memory_space<vmem>> -> memref<80xi32, #tpu.memory_space<vmem>>
        %dma_wait3A_176 = arith.constant 0 : i32
        %dma_wait3A_177 = arith.constant 0 : i32
        %dma_wait3A_178 = tpu.memref_slice %arg15[%dma_wait3A_176, %dma_wait3A_177] : memref<128x128xf32, #tpu.memory_space<vmem_shared>> -> memref<128x128xf32, #tpu.memory_space<vmem_shared>>
        tpu.wait_indirect_dma semaphore(%run_scoped3A : memref<!tpu.dma_semaphore, #tpu.memory_space<semaphore_mem>>) src(%arg12 : memref<80x128xf32, #tpu.memory_space<vmem>>) dst(%dma_wait3A_178 : memref<128x128xf32, #tpu.memory_space<vmem_shared>>)
        tpu.yield
      }) : () -> ()
      %add3A_144 = arith.constant 5 : i32
      %add3A_145 = arith.addi %add3A_139, %add3A_144 : i32
      %lt3A_146 = arith.constant 125 : i32
      %lt3A_147 = arith.cmpi slt, %add3A_145, %lt3A_146 : i32
      %convert_element_type3A_148 = arith.extui %lt3A_147 : i1 to i32
      %cond3A_149 = arith.constant 0 : i32
      %cond3A_150 = arith.cmpi ne, %convert_element_type3A_148, %cond3A_149 : i32
      scf.if %cond3A_150 {
        %add3A_167 = arith.constant 5 : i32
        %add3A_168 = arith.addi %add3A_139, %add3A_167 : i32
        %mul3A_169 = arith.constant 80 : i32
        %mul3A_170 = arith.muli %add3A_168, %mul3A_169 : i32
        %add3A_171 = arith.addi %mul3A_2, %mul3A_170 : i32
        %dma_start3A_172 = arith.constant 0 : i32
        %dma_start3A_173 = tpu.memref_slice %arg2[%add3A_171, %dma_start3A_172] : memref<320000x128xf32, #tpu.memory_space<hbm>> -> memref<80x128xf32, #tpu.memory_space<hbm>>
        %dma_start3A_174 = arith.constant 0 : i32
        %dma_start3A_175 = tpu.memref_slice %arg2[%add3A_171, %dma_start3A_174] : memref<320000x128xf32, #tpu.memory_space<hbm>> -> memref<80x128xf32, #tpu.memory_space<hbm>>
        tpu.enqueue_dma source(%dma_start3A_175 : memref<80x128xf32, #tpu.memory_space<hbm>>) target(%arg12 : memref<80x128xf32, #tpu.memory_space<vmem>>) target_semaphore(%arg20 : memref<!tpu.dma_semaphore, #tpu.memory_space<semaphore_mem>>)
      } else {
      }
      %mul3A_151 = arith.constant 5 : i32
      %mul3A_152 = arith.muli %scan3A_90, %mul3A_151 : i32
      %add3A_153 = arith.constant 4 : i32
      %add3A_154 = arith.addi %mul3A_152, %add3A_153 : i32
      %dma_wait3A_155 = arith.constant 0 : i32
      %dma_wait3A_156 = tpu.memref_slice %arg2[%mul3A_2, %dma_wait3A_155] : memref<320000x128xf32, #tpu.memory_space<hbm>> -> memref<80x128xf32, #tpu.memory_space<hbm>>
      %dma_wait3A_157 = arith.constant 0 : i32
      %dma_wait3A_158 = tpu.memref_slice %arg2[%mul3A_2, %dma_wait3A_157] : memref<320000x128xf32, #tpu.memory_space<hbm>> -> memref<80x128xf32, #tpu.memory_space<hbm>>
      tpu.wait_dma2 semaphore(%arg21 : memref<!tpu.dma_semaphore, #tpu.memory_space<semaphore_mem>>) src(%dma_wait3A_158 : memref<80x128xf32, #tpu.memory_space<hbm>>) dst(%arg13 : memref<80x128xf32, #tpu.memory_space<vmem>>)
      "tpu.region"() ({
        %run_scoped3A = tpu.sem_alloc : memref<!tpu.dma_semaphore, #tpu.memory_space<semaphore_mem>>
        %dma_start3A_167 = arith.constant 0 : i32
        %dma_start3A_168 = tpu.memref_slice %arg8[%add3A_154, %dma_start3A_167] : memref<125x80xi32, #tpu.memory_space<vmem>> -> memref<1x80xi32, #tpu.memory_space<vmem>>
        %dma_start3A_169 = tpu.memref_squeeze %dma_start3A_168 : memref<1x80xi32, #tpu.memory_space<vmem>> -> memref<80xi32, #tpu.memory_space<vmem>>
        %dma_start3A_170 = arith.constant 0 : i32
        %dma_start3A_171 = arith.constant 0 : i32
        %dma_start3A_172 = tpu.memref_slice %arg15[%dma_start3A_170, %dma_start3A_171] : memref<128x128xf32, #tpu.memory_space<vmem_shared>> -> memref<128x128xf32, #tpu.memory_space<vmem_shared>>
        tpu.enqueue_indirect_dma source(%arg13 : memref<80x128xf32, #tpu.memory_space<vmem>>) target(%dma_start3A_172 : memref<128x128xf32, #tpu.memory_space<vmem_shared>>) offsets(%dma_start3A_169 : memref<80xi32, #tpu.memory_space<vmem>>) semaphore(%run_scoped3A : memref<!tpu.dma_semaphore, #tpu.memory_space<semaphore_mem>>) {add = true}
        %dma_wait3A_173 = arith.constant 0 : i32
        %dma_wait3A_174 = tpu.memref_slice %arg8[%add3A_154, %dma_wait3A_173] : memref<125x80xi32, #tpu.memory_space<vmem>> -> memref<1x80xi32, #tpu.memory_space<vmem>>
        %dma_wait3A_175 = tpu.memref_squeeze %dma_wait3A_174 : memref<1x80xi32, #tpu.memory_space<vmem>> -> memref<80xi32, #tpu.memory_space<vmem>>
        %dma_wait3A_176 = arith.constant 0 : i32
        %dma_wait3A_177 = arith.constant 0 : i32
        %dma_wait3A_178 = tpu.memref_slice %arg15[%dma_wait3A_176, %dma_wait3A_177] : memref<128x128xf32, #tpu.memory_space<vmem_shared>> -> memref<128x128xf32, #tpu.memory_space<vmem_shared>>
        tpu.wait_indirect_dma semaphore(%run_scoped3A : memref<!tpu.dma_semaphore, #tpu.memory_space<semaphore_mem>>) src(%arg13 : memref<80x128xf32, #tpu.memory_space<vmem>>) dst(%dma_wait3A_178 : memref<128x128xf32, #tpu.memory_space<vmem_shared>>)
        tpu.yield
      }) : () -> ()
      %add3A_159 = arith.constant 5 : i32
      %add3A_160 = arith.addi %add3A_154, %add3A_159 : i32
      %lt3A_161 = arith.constant 125 : i32
      %lt3A_162 = arith.cmpi slt, %add3A_160, %lt3A_161 : i32
      %convert_element_type3A_163 = arith.extui %lt3A_162 : i1 to i32
      %cond3A_164 = arith.constant 0 : i32
      %cond3A_165 = arith.cmpi ne, %convert_element_type3A_163, %cond3A_164 : i32
      scf.if %cond3A_165 {
        %add3A_167 = arith.constant 5 : i32
        %add3A_168 = arith.addi %add3A_154, %add3A_167 : i32
        %mul3A_169 = arith.constant 80 : i32
        %mul3A_170 = arith.muli %add3A_168, %mul3A_169 : i32
        %add3A_171 = arith.addi %mul3A_2, %mul3A_170 : i32
        %dma_start3A_172 = arith.constant 0 : i32
        %dma_start3A_173 = tpu.memref_slice %arg2[%add3A_171, %dma_start3A_172] : memref<320000x128xf32, #tpu.memory_space<hbm>> -> memref<80x128xf32, #tpu.memory_space<hbm>>
        %dma_start3A_174 = arith.constant 0 : i32
        %dma_start3A_175 = tpu.memref_slice %arg2[%add3A_171, %dma_start3A_174] : memref<320000x128xf32, #tpu.memory_space<hbm>> -> memref<80x128xf32, #tpu.memory_space<hbm>>
        tpu.enqueue_dma source(%dma_start3A_175 : memref<80x128xf32, #tpu.memory_space<hbm>>) target(%arg13 : memref<80x128xf32, #tpu.memory_space<vmem>>) target_semaphore(%arg21 : memref<!tpu.dma_semaphore, #tpu.memory_space<semaphore_mem>>)
      } else {
      }
      %scan3A_166 = arith.constant 0 : i32
      scf.yield %scan3A_166 : i32
    }
    %scan3A_83 = arith.constant 25 : i32
    %barrier3A_84 = arith.constant 0 : index
    tpu.barrier barrier_id(%barrier3A_84)
    %eq3A_85 = arith.constant 0 : i32
    %eq3A_86 = arith.cmpi eq, %arg1, %eq3A_85 : i32
    %convert_element_type3A_87 = arith.extui %eq3A_86 : i1 to i32
    %cond3A_88 = arith.constant 0 : i32
    %cond3A_89 = arith.cmpi ne, %convert_element_type3A_87, %cond3A_88 : i32
    scf.if %cond3A_89 {
      "tpu.region"() ({
        %run_scoped3A = tpu.sem_alloc : memref<!tpu.dma_semaphore, #tpu.memory_space<semaphore_mem>>
        %dma_start3A_90 = arith.constant 0 : i32
        %dma_start3A_91 = arith.constant 0 : i32
        %dma_start3A_92 = tpu.memref_slice %arg5[%arg0, %dma_start3A_90, %dma_start3A_91] : memref<2x128x128xf32, #tpu.memory_space<hbm>> -> memref<1x128x128xf32, #tpu.memory_space<hbm>>
        %dma_start3A_93 = tpu.memref_squeeze %dma_start3A_92 : memref<1x128x128xf32, #tpu.memory_space<hbm>> -> memref<128x128xf32, #tpu.memory_space<hbm>>
        tpu.enqueue_dma source(%arg15 : memref<128x128xf32, #tpu.memory_space<vmem_shared>>) target(%dma_start3A_93 : memref<128x128xf32, #tpu.memory_space<hbm>>) target_semaphore(%run_scoped3A : memref<!tpu.dma_semaphore, #tpu.memory_space<semaphore_mem>>)
        %dma_wait3A_94 = arith.constant 0 : i32
        %dma_wait3A_95 = arith.constant 0 : i32
        %dma_wait3A_96 = tpu.memref_slice %arg5[%arg0, %dma_wait3A_94, %dma_wait3A_95] : memref<2x128x128xf32, #tpu.memory_space<hbm>> -> memref<1x128x128xf32, #tpu.memory_space<hbm>>
        %dma_wait3A_97 = tpu.memref_squeeze %dma_wait3A_96 : memref<1x128x128xf32, #tpu.memory_space<hbm>> -> memref<128x128xf32, #tpu.memory_space<hbm>>
        tpu.wait_dma2 semaphore(%run_scoped3A : memref<!tpu.dma_semaphore, #tpu.memory_space<semaphore_mem>>) src(%arg15 : memref<128x128xf32, #tpu.memory_space<vmem_shared>>) dst(%dma_wait3A_97 : memref<128x128xf32, #tpu.memory_space<hbm>>)
        tpu.yield
      }) : () -> ()
    } else {
    }
    "tpu.region"() ({
      %run_scoped3A = tpu.sem_alloc : memref<!tpu.dma_semaphore, #tpu.memory_space<semaphore_mem>>
      %dma_start3A_90 = arith.constant 0 : i32
      %dma_start3A_91 = tpu.memref_slice %arg6[%add3A, %dma_start3A_90] : memref<32x2048xf32, #tpu.memory_space<hbm>> -> memref<1x2048xf32, #tpu.memory_space<hbm>>
      %dma_start3A_92 = tpu.memref_squeeze %dma_start3A_91 : memref<1x2048xf32, #tpu.memory_space<hbm>> -> memref<2048xf32, #tpu.memory_space<hbm>>
      %dma_start3A_93 = arith.constant 0 : i32
      %dma_start3A_94 = tpu.memref_slice %arg6[%add3A, %dma_start3A_93] : memref<32x2048xf32, #tpu.memory_space<hbm>> -> memref<1x2048xf32, #tpu.memory_space<hbm>>
      %dma_start3A_95 = tpu.memref_squeeze %dma_start3A_94 : memref<1x2048xf32, #tpu.memory_space<hbm>> -> memref<2048xf32, #tpu.memory_space<hbm>>
      tpu.enqueue_dma source(%arg16 : memref<2048xf32, #tpu.memory_space<vmem>>) target(%dma_start3A_95 : memref<2048xf32, #tpu.memory_space<hbm>>) target_semaphore(%run_scoped3A : memref<!tpu.dma_semaphore, #tpu.memory_space<semaphore_mem>>)
      %dma_wait3A_96 = arith.constant 0 : i32
      %dma_wait3A_97 = tpu.memref_slice %arg6[%add3A, %dma_wait3A_96] : memref<32x2048xf32, #tpu.memory_space<hbm>> -> memref<1x2048xf32, #tpu.memory_space<hbm>>
      %dma_wait3A_98 = tpu.memref_squeeze %dma_wait3A_97 : memref<1x2048xf32, #tpu.memory_space<hbm>> -> memref<2048xf32, #tpu.memory_space<hbm>>
      %dma_wait3A_99 = arith.constant 0 : i32
      %dma_wait3A_100 = tpu.memref_slice %arg6[%add3A, %dma_wait3A_99] : memref<32x2048xf32, #tpu.memory_space<hbm>> -> memref<1x2048xf32, #tpu.memory_space<hbm>>
      %dma_wait3A_101 = tpu.memref_squeeze %dma_wait3A_100 : memref<1x2048xf32, #tpu.memory_space<hbm>> -> memref<2048xf32, #tpu.memory_space<hbm>>
      tpu.wait_dma2 semaphore(%run_scoped3A : memref<!tpu.dma_semaphore, #tpu.memory_space<semaphore_mem>>) src(%arg16 : memref<2048xf32, #tpu.memory_space<vmem>>) dst(%dma_wait3A_101 : memref<2048xf32, #tpu.memory_space<hbm>>)
      tpu.yield
    }) : () -> ()
    return
  }
}

module attributes {stable_mosaic.version = 14 : i64} {
  func.func @_combine_kernel(%arg0: memref<2x128x128xf32, #tpu.memory_space<vmem>>, %arg1: memref<32x128x16xf32, #tpu.memory_space<vmem>>, %arg2: memref<100x128xf32, #tpu.memory_space<vmem>>) attributes {dimension_semantics = [], scalar_prefetch = 0 : i64, scratch_operands = 0 : i64, tpu.core_type = #tpu.core_type<tc>} {
    %get3A = arith.constant 0 : index
    %get3A_0 = arith.constant 0 : index
    %get3A_1 = arith.constant 0 : index
    %get3A_2 = vector.load %arg0[%get3A, %get3A_0, %get3A_1] : memref<2x128x128xf32, #tpu.memory_space<vmem>>, vector<1x128x128xf32>
    %get3A_3 = vector.shape_cast %get3A_2 : vector<1x128x128xf32> to vector<128x128xf32>
    %get3A_4 = arith.constant 1 : index
    %get3A_5 = arith.constant 0 : index
    %get3A_6 = arith.constant 0 : index
    %get3A_7 = vector.load %arg0[%get3A_4, %get3A_5, %get3A_6] : memref<2x128x128xf32, #tpu.memory_space<vmem>>, vector<1x128x128xf32>
    %get3A_8 = vector.shape_cast %get3A_7 : vector<1x128x128xf32> to vector<128x128xf32>
    %add3A = arith.addf %get3A_3, %get3A_8 : vector<128x128xf32>
    %get3A_9 = arith.constant 0 : index
    %get3A_10 = arith.constant 0 : index
    %get3A_11 = arith.constant 0 : index
    %get3A_12 = vector.load %arg1[%get3A_9, %get3A_10, %get3A_11] : memref<32x128x16xf32, #tpu.memory_space<vmem>>, vector<32x128x16xf32>
    %reduce_sum3A = arith.constant dense<0.000000e+00> : vector<128xf32>
    %reduce_sum3A_13 = vector.multi_reduction <add>, %get3A_12, %reduce_sum3A [0, 2] : vector<32x128x16xf32> to vector<128xf32>
    %eq3A = arith.constant 0.000000e+00 : f32
    %eq3A_14 = vector.broadcast %eq3A : f32 to vector<128xf32>
    %eq3A_15 = arith.cmpf oeq, %reduce_sum3A_13, %eq3A_14 : vector<128xf32>
    %jit3A = arith.constant 1.000000e+00 : f32
    %broadcast_in_dim3A = vector.broadcast %jit3A : f32 to vector<128xf32>
    %select_n3A = arith.select %eq3A_15, %broadcast_in_dim3A, %reduce_sum3A_13 : vector<128xi1>, vector<128xf32>
    %broadcast_in_dim3A_16 = vector.shape_cast %select_n3A : vector<128xf32> to vector<128x1xf32>
    %div3A = vector.broadcast %broadcast_in_dim3A_16 : vector<128x1xf32> to vector<128x128xf32>
    %div3A_17 = arith.divf %add3A, %div3A : vector<128x128xf32>
    %slice3A = vector.extract_strided_slice %div3A_17 {offsets = [0, 0], sizes = [100, 128], strides = [1, 1]} : vector<128x128xf32> to vector<100x128xf32>
    %swap3A = arith.constant 0 : index
    %swap3A_18 = arith.constant 0 : index
    %swap3A_19 = vector.load %arg2[%swap3A, %swap3A_18] : memref<100x128xf32, #tpu.memory_space<vmem>>, vector<100x128xf32>
    tpu.vector_store %arg2[%swap3A, %swap3A_18], %slice3A {strides = array<i32>} : memref<100x128xf32, #tpu.memory_space<vmem>>, vector<100x128xf32>,
    return
  }
}

</mosaic_0001>

<sc_bundles>
// kernel: kernel.4.cloned.1.call-start
scs
__scs_entry_jumppad:
0x0: {  	(pc) =	sbr.rel $0x88, $3  }
0x1: {  	(tag) =	ssettag $0x0;
	lr =	simm.s32 $0x1  }
0x2: {  	[smem:$0x3F9F] =	sst lr;
	_ =	strace $0xD0000000  }
0x3: {  	_ = 	snop  }
0x4: {  	_ = 	snop  }
0x5: {  	_ = 	snop  }
0x6: {  	_ = 	snop  }
0x7: {  	_ = 	snop  }
__scs_overlays_trampoline_lowered:
0x8: {  	[smem:$0x3FAE] =	sst s0  }
0x9: {  	[smem:$0x3FAF] =	sst s1  }
0xa: {  	[smem:$0x3FB0] =	sst s2  }
0xb: {  	[smem:$0x3FB1] =	sst s3  }
0xc: {  	[smem:$0x3FB2] =	sst s4  }
0xd: {  	[smem:$0x3FB3] =	sst s5  }
0xe: {  	[smem:$0x3FB4] =	sst s6  }
0xf: {  	[smem:$0x3FB5] =	sst s7  }
0x10: {  	[smem:$0x3FB6] =	sst s8  }
0x11: {  	[smem:$0x3FB7] =	sst s9;
	s0 =	simm.s32 @!p0 $0x0  }
0x12: {  	s1 =	sld [smem:$0x3F9D];
	s0 =	simm.s32 @p0 $0x1  }
0x13: {  	[smem:$0x3FB8] =	sst s0;
	s0 =	simm.s32 @!p1 $0x0  }
0x14: {  	s2 =	sld [smem:$0x3F9C];
	s0 =	simm.s32 @p1 $0x1  }
0x15: {  	[smem:$0x3FB9] =	sst s0;
	s0 =	simm.s32 @!p2 $0x0  }
0x16: {  	s3 =	sld [smem:$0x3FDB];
	s0 =	simm.s32 @p2 $0x1  }
0x17: {  	s4 =	simm.s32 $0x1BF5;
	[smem:$0x3FBB] =	sst s0  }
0x18: {  	s0 =	sld [smem:$0x3F9E];
	_ =	swait.ge [sflag:s4], $0x0  }
0x19: {  	s7 =	sld [smem:$0x3F9F]  }
0x1a: {  	s8 =	sadd.s32 $0xFFFFE003, lr  }
0x1b: {  	s9 =	sadd.s32 $0xFFFFFEF7, lr;
	s5 =	simm.s32 $0xFFFFFFFF;
	p2 =	slt.u32 s8, $0xFFFFF086  }
0x1c: {  	p1 =	slt.u32 s9, $0xF7A;
	s5 =	simm.s32 @!p2 $0x0  }
0x1d: {  	s5 =	simm.s32 @p1 $0x1;
	p0 =	seq.s32 s7, s2  }
0x1e: {  	s7 =	smul.u32 @!p0 $0xF7A, s2;
	p2 =	seq.s32 @!p0 s5, $0x0  }
0x1f: {  	s9 =	smul.u32 $0xF7A, s1;
	s8 =	simm.s32 @!p0 $0x1BF5;
	p2 =	por !p2, p0  }
0x20: {  	[sflag:s8] =	ssyncset.s32 @!p0 $0xFFFFF086;
	s6 =	sadd.s32 @!p0 s3, s7;
	s7 =	simm.s32 @!p0 $0x108  }
0x21: {  	s3 =	sadd.s32 s3, s9;
	s6 =	sadd.s32 @!p0 $0x88, s6;
	s7 =	simm.s32 @p2 $0x1082  }
0x22: {  	[simem:s7], [sflag:s8] =	dma.local @!p0 [hbm:s6], $0xF7A  }
0x23: {  	s9 =	sor.u32 $0xD0000000, s2;
	s6 =	simm.s32 $0x108;
	_ =	swait.ge @!p0 [sflag:s8], $0x0  }
0x24: {  	s3 =	sadd.s32 $0x88, s3;
	s6 =	simm.s32 @!p1 $0x1082;
	[sflag:s4] =	ssyncset.s32 $0xFFFFF086  }
0x25: {  	[simem:s6], [sflag:s4] =	dma.local [hbm:s3], $0xF7A  }
0x26: {  	[smem:$0x3F9F] =	sst s1;
	(tag) =	ssettag s2;
	_ =	strace s9  }
0x27: {  	s1 =	sld [smem:$0x3FAF]  }
0x28: {  	s2 =	sld [smem:$0x3FB0]  }
0x29: {  	s4 =	sld [smem:$0x3FB2]  }
0x2a: {  	p0 =	seq.s32 s5, $0x0;
	s5 =	sld [smem:$0x3FB3]  }
0x2b: {  	s6 =	sld [smem:$0x3FB4]  }
0x2c: {  	s7 =	sld [smem:$0x3FB5]  }
0x2d: {  	s3 =	simm.s32 $0x108;
	s8 =	sld [smem:$0x3FB6]  }
0x2e: {  	s3 =	simm.s32 @!p0 $0x1082;
	s9 =	sld [smem:$0x3FB7]  }
0x2f: {  	lr =	sadd.s32 s0, s3;
	s0 =	sld [smem:$0x3FAE]  }
0x30: {  	s3 =	sld [smem:$0x3FB1]  }
0x31: {  	[smem:$0x3FBA] =	sst s10  }
0x32: {  	s10 =	sld [smem:$0x3FB8];
	_ =	sdelay $0x3  }
0x33: {  	p0 =	seq.s32 s10, $0x1;
	s10 =	sld [smem:$0x3FBA];
	_ =	sdelay $0x3  }
0x34: {  	[smem:$0x3FBA] =	sst s10  }
0x35: {  	s10 =	sld [smem:$0x3FB9];
	_ =	sdelay $0x3  }
0x36: {  	p1 =	seq.s32 s10, $0x1;
	s10 =	sld [smem:$0x3FBA];
	_ =	sdelay $0x3  }
0x37: {  	[smem:$0x3FBA] =	sst s10  }
0x38: {  	s10 =	sld [smem:$0x3FBB]  }
0x39: {  	_ = 	snop;
	(pc) =	sbr.ind lr, $3  }
0x3a: {  	_ = 	snop  }
0x3b: {  	_ = 	snop  }
0x3c: {  	p2 =	seq.s32 s10, $0x1;
	s10 =	sld [smem:$0x3FBA]  }
0x3d: {  	_ =	shalt  }
0x3e: {  	_ =	shalt  }
0x3f: {  	_ =	shalt  }
0x40: {  	_ =	shalt  }
0x41: {  	_ =	shalt  }
0x42: {  	_ =	shalt  }
0x43: {  	_ =	shalt  }
0x44: {  	_ =	shalt  }
0x45: {  	_ =	shalt  }
0x46: {  	_ =	shalt  }
0x47: {  	_ =	shalt  }
0x48: {  	_ =	shalt  }
0x49: {  	_ =	shalt  }
0x4a: {  	_ =	shalt  }
0x4b: {  	_ =	shalt  }
0x4c: {  	_ =	shalt  }
0x4d: {  	_ =	shalt  }
0x4e: {  	_ =	shalt  }
0x4f: {  	_ =	shalt  }
0x50: {  	_ =	shalt  }
0x51: {  	_ =	shalt  }
0x52: {  	_ =	shalt  }
0x53: {  	_ =	shalt  }
0x54: {  	_ =	shalt  }
0x55: {  	_ =	shalt  }
0x56: {  	_ =	shalt  }
0x57: {  	_ =	shalt  }
0x58: {  	_ =	shalt  }
0x59: {  	_ =	shalt  }
0x5a: {  	_ =	shalt  }
0x5b: {  	_ =	shalt  }
0x5c: {  	_ =	shalt  }
0x5d: {  	_ =	shalt  }
0x5e: {  	_ =	shalt  }
0x5f: {  	_ =	shalt  }
0x60: {  	_ =	shalt  }
0x61: {  	_ =	shalt  }
0x62: {  	_ =	shalt  }
0x63: {  	_ =	shalt  }
0x64: {  	_ =	shalt  }
0x65: {  	_ =	shalt  }
0x66: {  	_ =	shalt  }
0x67: {  	_ =	shalt  }
0x68: {  	_ =	shalt  }
0x69: {  	_ =	shalt  }
0x6a: {  	_ =	shalt  }
0x6b: {  	_ =	shalt  }
0x6c: {  	_ =	shalt  }
0x6d: {  	_ =	shalt  }
0x6e: {  	_ =	shalt  }
0x6f: {  	_ =	shalt  }
0x70: {  	_ =	shalt  }
0x71: {  	_ =	shalt  }
0x72: {  	_ =	shalt  }
0x73: {  	_ =	shalt  }
0x74: {  	_ =	shalt  }
0x75: {  	_ =	shalt  }
0x76: {  	_ =	shalt  }
0x77: {  	_ =	shalt  }
0x78: {  	_ =	shalt  }
0x79: {  	_ =	shalt  }
0x7a: {  	_ =	shalt  }
0x7b: {  	_ =	shalt  }
0x7c: {  	_ =	shalt  }
0x7d: {  	_ =	shalt  }
0x7e: {  	_ =	shalt  }
0x7f: {  	_ =	shalt  }
0x80: {  	_ =	shalt  }
0x81: {  	_ =	shalt  }
0x82: {  	_ =	shalt  }
0x83: {  	_ =	shalt  }
0x84: {  	_ =	shalt  }
0x85: {  	_ =	shalt  }
0x86: {  	_ =	shalt  }
0x87: {  	_ =	shalt  }
.Lfunc_end0:
.L_simem_size_0:
called_computation_lowered:
.L_overlay_start_0:
0x88: {  	s2 =	sld [smem:$0x3FD9]  }
0x89: {  	s3 =	sld [smem:$0x3FFE];
	_ =	sdelay $0x1  }
0x8a: {  	s1 =	srdreg.scid  }
0x8b: {  	s0 =	sand.u32 $0x1, s1  }
0x8c: {  	s17 =	sshll.u32 s0, $0xA;
	s2 =	sadd.s32 s3, s2  }
0x8d: {  	s2 =	sadd.s32 s2, s17  }
0x8e: {  	[smem:$0x3FC6] =	sst s2  }
0x8f: {  	_ = 	snop  }
0x90: {  	s2 =	sld [smem:$0x3FC9]  }
0x91: {  	s18 =	sld [smem:$0x3FC8];
	(tm) =	ssettm $0x1  }
0x92: {  	s4 =	sld [smem:$0x3FFB];
	_ =	sdelay $0x3  }
0x93: {  	_ =	strace s4  }
0x94: {  	s4 =	sld [smem:$0x3FFC];
	_ =	sdelay $0x3  }
0x95: {  	_ =	strace s4  }
0x96: {  	s4 =	sld [smem:$0x3FFD];
	_ =	sdelay $0x3  }
0x97: {  	_ =	strace s4  }
0x98: {  	_ =	strace $0x8FFFFFFF  }
0x99: {  	s19 =	sld [smem:$0x3FDB];
	_ =	sdelay $0x1  }
0x9a: {  	s5 =	simm.s32 $_scs_section_size  }
0x9b: {  	s6 =	simm.s32 $_size__tile_overlayer_lowered;
	s7 =	simm.s32 $_tile_overlayer_lowered  }
0x9c: {  	s22 =	simm.s32 $0x1BFF;
	s21 =	sshll.u32 s7, $0x1;
	s4 =	sadd.s32 s5, s19  }
0x9d: {  	s8 =	simm.s32 $0x0;
	s20 =	sshll.u32 s6, $0x1;
	s6 =	sadd.s32 s21, s4  }
0x9e: {  	[timem:s8], [sflag:s22] =	dma.local [hbm:s6], s20  }
0x9f: {  	_ =	swait.ge [sflag:s22], s20  }
0xa0: {  	s5 =	ssub.s32 $0x0, s20;
	[sflag:s22] =	ssyncset.done $0x0  }
0xa1: {  	[sflag:s22] =	ssyncadd.s32 s5;
	_ =	sdelay $0x1  }
0xa2: {  	s23 =	simm.s32 $0x1B8B  }
0xa3: {  	_ =	swait.ge [sflag:s23], $0x1  }
0xa4: {  	[sflag:s23] =	ssyncset.done $0x0  }
0xa5: {  	s25 =	simm.s32 $0x1B8E;
	s24 =	sld [smem:$0x3FFE];
	[sflag:s23] =	ssyncadd.s32 $0xFFFFFFFF  }
0xa6: {  	s26 =	simm.s32 $execute0_lowered;
	[smem:$0x3FD2] =	sst s25  }
0xa7: {  	s6 =	sshll.u32 s26, $0x1;
	_ =	strace $0x80000046;
	[dreg:$0x1] =	wrdreg $0xFFFFFFFF  }
0xa8: {  	s28 =	simm.s32 $_size_execute0_lowered;
	s4 =	sadd.s32 s4, s6;
	[dreg:$0x0] =	wrdreg $0x0  }
0xa9: {  	s6 =	sshll.u32 s28, $0x1;
	[dreg:$0x2] =	wrdreg s4  }
0xaa: {  	[dreg:$0x3] =	wrdreg s6  }
0xab: {  	[dreg:$0x4] =	wrdreg $0xC0  }
0xac: {  	_ =	task [dreg:s8], $0x5FFFF  }
0xad: {  	[dreg:$0x1] =	wrdreg $0xFFFFFFFF  }
0xae: {  	[dreg:$0x0] =	wrdreg $0x60  }
0xaf: {  	[dreg:$0x2] =	wrdreg s2  }
0xb0: {  	[dreg:$0x3] =	wrdreg s18  }
0xb1: {  	[dreg:$0x4] =	wrdreg s24  }
0xb2: {  	[dreg:$0x5] =	wrdreg $0x16F800  }
0xb3: {  	[dreg:$0x6] =	wrdreg $0x9  }
0xb4: {  	_ =	task.clear_ibuf [dreg:s8], $0x7FFFF;
	_ =	strace $0x90000046  }
0xb5: {  	s29 =	simm.s32 $0x9;
	_ =	strace $0x80000048  }
0xb6: {  	_ =	swait.ge [sflag:s29], $0x1  }
0xb7: {  	[sflag:s29] =	ssyncadd.s32 $0xFFFFFFFF  }
0xb8: {  	_ =	strace $0x90000048  }
0xb9: {  	_ =	sfence  }
0xba: {  	s30 =	sld [smem:$0x0];
	_ =	sdelay $0x2  }
0xbb: {  	s31 =	sshll.u32 s1, $0xD;
	s1 =	sshrl.u32 s1, $0x2  }
0xbc: {  	s3 =	sand.u32 $0x4000, s31;
	s1 =	sadd.s32 s1, s30  }
0xbd: {  	s0 =	sor.u32 s3, s0;
	s1 =	sshll.u32 s1, $0x11  }
0xbe: {  	s0 =	sor.u32 s1, s0  }
0xbf: {  	s0 =	sadd.s32 $0x8F2B, s0  }
0xc0: {  	[sflag:s0] =	ssyncadd.remote.s32 $0x1  }
0xc1: {  	_ =	sfence.sel $0xFFFF  }
0xc2: {  	[dreg:$0x0] =	wrdreg $0xFFFFFFFF;
	(pc) =	sbr.abs _section_cstart, $3  }
0xc3: {  	[dreg:$0x1] =	wrdreg $0xFFFFFFFF  }
0xc4: {  	_ =	task.clear_ibuf [dreg:s8], $0x2FFFF;
	_ =	strace $0x9FFFFFFF  }
0xc5: {  	(tm) =	ssettm $0x7FFFFFFF  }
tec
execute0_lowered:
.L_overlay_start_1:
0x0: {  	(tag) =	ssettag $0x1  }
0x1: {  	s0 =	rddreg [dreg:$0x0]  }
0x2: {  	s4 =	rddreg [dreg:$0x1]  }
0x3: {  	s3 =	rddreg [dreg:$0x2]  }
0x4: {  	s1 =	rddreg [dreg:$0x3];
	s5 =	srdreg.scid  }
0x5: {  	s2 =	simm.s32 $0x0;
	s14 =	stileid.u32;
	s17 =	simm.s32 $0xB780  }
0x6: {  	s28 =	simm.s32 $0x3;
	s29 =	simm.s32 $0x5;
	s8 =	sand.u32 $0x1, s5  }
0x7: {  	[smem:$0x7FF] =	sst s2;
	s9 =	sshll.u32 s14, $0x7;
	s16 =	smul.u32 $0x27100, s14  }
0x8: {  	p0 =	sne.s32 s14, $0x0;
	s5 =	sshll.u32 s8, $0x4;
	_ =	strace $0x80000047  }
0x9: {  	s7 =	sshll.u32 s8, $0xB;
	s31 =	smul.u32 $0x271000, s8;
	s5 =	sor.u32 s14, s5  }
0xa: {  	s19 =	ssub.s32 $0x2, s8;
	s11 =	sadd.s32 s7, s3;
	s20 =	smul.u32 $0x2710, s5  }
0xb: {  	s12 =	sshrl.u32 s19, $0x1;
	s6 =	sshll.u32 s5, $0xB;
	s13 =	smul.u32 $0x138800, s5  }
0xc: {  	s12 =	ssub.s32 s19, s12;
	s5 =	smul.u32 $0x27100, s5;
	s19 =	simm.s32 $0x10780  }
0xd: {  	s10 =	sadd.s32 s6, s3;
	s6 =	sor.u32 s9, s6;
	s12 =	smax.u32 s12, $0x1  }
0xe: {  	s6 =	sand.u32 $0xC380, s6;
	s21 =	sadd.s32 $0xA00, s10;
	s22 =	sshrl.u32 s20, $0x3  }
0xf: {  	s23 =	sshrl.u32 s13, $0x3;
	s25 =	sadd.s32 s0, s5;
	s10 =	sadd.s32 $0x12A00, s11  }
0x10: {  	s6 =	sshrl.u32 s6, $0x3;
	[dreg:$0x5] =	wrdreg s21;
	s24 =	sadd.s32 s4, s22  }
0x11: {  	[dreg:$0x7] =	wrdreg s25;
	s26 =	sadd.s32 s0, s23;
	s0 =	sadd.s32 s31, s0  }
0x12: {  	s21 =	simm.s32 $0x8;
	s22 =	simm.s32 $0x6;
	s23 =	simm.s32 $0x17380  }
.Ltmp0:
0x13: {  	s25 =	simm.s32 $0x1;
	s15 =	sadd.s32 s6, s3;
	(pc) =	sbr.rel .LBB2_1-.Ltmp0, $4  }
0x14: {  	[dreg:$0x6] =	wrdreg s24;
	s30 =	sadd.s32 $0x500, s26;
	s7 =	sadd.s32 $0xA00, s26  }
0x15: {  	s8 =	sadd.s32 $0xF00, s26;
	s9 =	sadd.s32 $0x1400, s26;
	s13 =	sadd.s32 s16, s0  }
0x16: {  	s24 =	simm.s32 $0x7;
	s26 =	simm.s32 $0x50;
	s0 =	simm.s32 $0x0  }
0x17: {  	v0 =	vimm.f32 $0.0e+00;
	v1 =	vlaneseq.u32;
	v2 =	vimm.f32 $1.000000000e+00;
	[dreg:$0x8] =	wrdreg s30;
	s11 =	sadd.s32 $0x10A00, s15;
	s15 =	simm.s32 $0x6780  }
.LBB2_12:
0x18: {  	[bflag:$0x0] =	sbarrier.arrive $0xFFFF;
	s3 =	sshrl.u32 @!p0 s1, $0x3;
	s4 =	simm.s32 @!p0 $0x1C08  }
0x19: {  	[hbm:s10], [sflag:s4] =	dma.local @!p0 [spmem:s3], $0x800  }
0x1a: {  	s3 =	simm.s32 @!p0 $0x8  }
0x1b: {  	s0 =	sadd.s32 $0x1, s0;
	_ =	swait.ge @!p0 [sflag:s3], $0x800  }
0x1c: {  	s30 =	simm.s32 $0x80;
	p1 =	sne.s32 s0, s12;
	[sflag:s3] =	ssyncset.done @!p0 $0x0  }
.Ltmp1:
0x1d: {  	s31 =	simm.s32 $0x400;
	[sflag:s3] =	ssyncadd.s32 @!p0 $0xFFFFF800;
	(pc) =	sbr.rel @!p1 .LBB2_13-.Ltmp1, $4  }
0x1e: {  	[hbm4b:s11+s30] =	stream.strided.scatter [tilespmem:s23], [sflag:$0x8], $0x800, s31, s30, $0x38;
	[tilespmem:$0x17B80] =	vst v63  }
0x1f: {  	_ =	swait.ge [sflag:s21], $0x800  }
0x20: {  	[sflag:s21] =	ssyncset.done $0x0  }
0x21: {  	[sflag:s21] =	ssyncadd.s32 $0xFFFFF800  }
.LBB2_1:
0x22: {  	s3 =	rddreg [dreg:$0x5];
	s4 =	simm.s32 $0x2780  }
0x23: {  	[tilespmem:s4], [sflag:$0x7] =	stream.linear.gather [hbm4b:s3+s2], $0x3E80, $0x38;
	[tilespmem:$0x17B80] =	vst v63  }
0x24: {  	s16 =	rddreg [dreg:$0x6]  }
0x25: {  	[tilespmem:s2], [sflag:$0x6] =	stream.linear.gather [hbm4b:s16+s2], $0x2710, $0x38;
	[tilespmem:$0x17B80] =	vst v63  }
0x26: {  	s18 =	rddreg [dreg:$0x7]  }
0x27: {  	[tilespmem:s15], [sflag:$0x1] =	stream.linear.gather [hbm4b:s18+s2], $0x2800, $0x38;
	[tilespmem:$0x17B80] =	vst v63  }
0x28: {  	s20 =	rddreg [dreg:$0x8];
	s30 =	simm.s32 $0x8F80  }
0x29: {  	[tilespmem:s30], [sflag:$0x2] =	stream.linear.gather [hbm4b:s20+s2], $0x2800, $0x38;
	[tilespmem:$0x17B80] =	vst v63  }
0x2a: {  	_ = 	snop  }
0x2b: {  	[tilespmem:s17], [sflag:$0x3] =	stream.linear.gather [hbm4b:s7+s2], $0x2800, $0x38;
	[tilespmem:$0x17B80] =	vst v63  }
.Ltmp2:
0x2c: {  	_ = 	snop;
	(pc) =	sbr.rel @p0 .LBB2_5-.Ltmp2, $4  }
0x2d: {  	s31 =	simm.s32 $0xDF80  }
0x2e: {  	[tilespmem:s31], [sflag:$0x4] =	stream.linear.gather [hbm4b:s8+s2], $0x2800, $0x38;
	[tilespmem:$0x17B80] =	vst v63  }
0x2f: {  	_ = 	snop  }
0x30: {  	[tilespmem:s19], [sflag:$0x5] =	stream.linear.gather [hbm4b:s9+s2], $0x2800, $0x38;
	[tilespmem:$0x17B80] =	vst v63  }
0x31: {  	s14 =	sshra.s32 s2, $0x2;
	s20 =	sadd.s32 $0x200, s2  }
.LBB2_3:
0x32: {  	p1 =	sne.s32 s20, $0xFE00;
	[tilespmem:s14+$0x12FF0] =	vst v0  }
0x33: {  	[tilespmem:s14+$0x12F80] =	vst v0  }
0x34: {  	[tilespmem:s14+$0x12F90] =	vst v0  }
.Ltmp3:
0x35: {  	[tilespmem:s14+$0x12FA0] =	vst v0;
	(pc) =	sbr.rel @p1 .LBB2_3-.Ltmp3, $4  }
0x36: {  	[tilespmem:s14+$0x12FB0] =	vst v0  }
0x37: {  	[tilespmem:s14+$0x12FC0] =	vst v0  }
0x38: {  	[tilespmem:s14+$0x12FD0] =	vst v0  }
0x39: {  	[tilespmem:s14+$0x12FE0] =	vst v0;
	s14 =	sshra.s32 s20, $0x2;
	s20 =	sadd.s32 $0x200, s20  }
0x3a: {  	[tilespmem:s14+$0x12FF0] =	vst v0  }
0x3b: {  	[tilespmem:s14+$0x12F80] =	vst v0  }
0x3c: {  	[tilespmem:s14+$0x12F90] =	vst v0  }
0x3d: {  	[tilespmem:s14+$0x12FA0] =	vst v0  }
0x3e: {  	[tilespmem:s14+$0x12FB0] =	vst v0  }
0x3f: {  	[tilespmem:s14+$0x12FC0] =	vst v0  }
0x40: {  	[tilespmem:s14+$0x12FD0] =	vst v0  }
0x41: {  	[tilespmem:s14+$0x12FE0] =	vst v0;
	s3 =	simm.s32 $0x12F80  }
0x42: {  	[spmem:s1] =	stream.linear.scatter [tilespmem:s3], [sflag:$0x8], $0x4000, $0x38;
	[tilespmem:$0x17B80] =	vst v63  }
0x43: {  	_ =	swait.ge [sflag:s21], $0x4000  }
0x44: {  	[sflag:s21] =	ssyncset.done $0x0  }
0x45: {  	[sflag:s21] =	ssyncadd.s32 $0xFFFFC000  }
.LBB2_5:
0x46: {  	[bflag:$0x0] =	sbarrier.arrive $0xFFFF;
	s14 =	simm.s32 $0x40;
	s20 =	simm.s32 $0x0  }
.LBB2_6:
0x47: {  	p1 =	sne.s32 s14, $0x1FC0;
	[tilespmem:s20+$0x17380] =	vst v0;
	s20 =	smov.u32 s14;
	s14 =	sadd.s32 $0x40, s14  }
.Ltmp4:
0x48: {  	(pc) =	sbr.rel @p1 .LBB2_6-.Ltmp4, $2  }
0x49: {  	_ =	sdelay $0x2  }
0x4a: {  	s20 =	sshra.s32 s20, $0x2  }
0x4b: {  	[tilespmem:s20+$0x17380] =	vst v0  }
0x4c: {  	_ =	swait.ge [sflag:s22], $0x2710  }
0x4d: {  	[sflag:s22] =	ssyncset.done $0x0  }
0x4e: {  	s20 =	simm.s32 $0x0;
	s14 =	simm.s32 $0x40;
	[sflag:s22] =	ssyncadd.s32 $0xFFFFD8F0  }
.LBB2_8:
0x4f: {  	p1 =	sne.s32 s14, $0x9C00;
	v3 =	vld [tilespmem:s20+$0x0];
	_ =	sdelay $0x4  }
0x50: {  	v3 =	vshll.u32 v3, $0x4  }
0x51: {  	v3 =	vor.u32 v1, v3  }
.Ltmp5:
0x52: {  	(pc) =	sbr.rel @p1 .LBB2_8-.Ltmp5, $2  }
0x53: {  	_ =	sdelay $0x2  }
0x54: {  	s20 =	sshra.s32 s14, $0x2;
	s14 =	sadd.s32 $0x40, s14;
	[tilespmem:v3+s23+$0x0] =	vst.idx.add.f32.msk $0xffff, v2  }
0x55: {  	v3 =	vld [tilespmem:s20+$0x0];
	_ =	sdelay $0x4  }
0x56: {  	v3 =	vshll.u32 v3, $0x4  }
0x57: {  	v3 =	vor.u32 v1, v3;
	_ =	sdelay $0x4  }
0x58: {  	[tilespmem:v3+s23+$0x0] =	vst.idx.add.f32.msk $0xffff, v2  }
0x59: {  	_ =	swait.ge [sflag:s24], $0x3E80  }
0x5a: {  	[sflag:s24] =	ssyncset.done $0x0  }
0x5b: {  	s20 =	simm.s32 $0x0;
	s14 =	simm.s32 $0x2780;
	[sflag:s24] =	ssyncadd.s32 $0xFFFFC180  }
.LBB2_10:
0x5c: {  	_ =	swait.ge [sflag:s25], $0x2800  }
0x5d: {  	[sflag:s25] =	ssyncset.done $0x0  }
0x5e: {  	[sflag:s25] =	ssyncadd.s32 $0xFFFFD800  }
0x5f: {  	[spmem:s1] =	stream.indirect.scatter.add.f32 [tilespmem:s15], [sflag:$0x8], $0x80, s14, s26, $0xb8;
	[tilespmem:$0x17B80] =	vst v63  }
0x60: {  	_ =	swait.ge [sflag:s21], $0x2800  }
0x61: {  	p1 =	seq.s32 s20, $0x25800;
	[sflag:s21] =	ssyncset.done $0x0  }
0x62: {  	s16 =	simm.s32 @p1 $0x2;
	[sflag:s21] =	ssyncadd.s32 $0xFFFFD800  }
0x63: {  	_ =	swait.ge @p1 [sflag:s16], $0x2800  }
0x64: {  	s18 =	simm.s32 @p1 $0x50;
	[sflag:s16] =	ssyncset.done @p1 $0x0  }
0x65: {  	s30 =	simm.s32 @p1 $0x8F80;
	[sflag:s16] =	ssyncadd.s32 @p1 $0xFFFFD800;
	s16 =	sadd.s32 @p1 $0x80, s14  }
0x66: {  	[spmem:s1] =	stream.indirect.scatter.add.f32 @p1 [tilespmem:s30], [sflag:$0x8], $0x80, s16, s18, $0xb8;
	[tilespmem:$0x17B80] =	vst v63  }
0x67: {  	s16 =	simm.s32 @p1 $0x8  }
0x68: {  	_ =	swait.ge @p1 [sflag:s16], $0x2800  }
0x69: {  	s3 =	simm.s32 @!p1 $0x0;
	s30 =	sadd.s32 @!p1 s20, s13;
	[sflag:s16] =	ssyncset.done @p1 $0x0  }
0x6a: {  	s4 =	simm.s32 @!p1 $0x6780;
	s31 =	sadd.s32 @!p1 $0x1900, s30;
	[sflag:s16] =	ssyncadd.s32 @p1 $0xFFFFD800  }
0x6b: {  	[tilespmem:s4], [sflag:$0x1] =	stream.linear.gather @!p1 [hbm4b:s31+s3], $0x2800, $0x38;
	[tilespmem:$0x17B80] =	vst v63  }
0x6c: {  	s4 =	simm.s32 @!p1 $0x2  }
0x6d: {  	_ =	swait.ge @!p1 [sflag:s4], $0x2800  }
0x6e: {  	s5 =	simm.s32 @!p1 $0x8F80;
	[sflag:s4] =	ssyncset.done @!p1 $0x0  }
0x6f: {  	s31 =	simm.s32 @!p1 $0x50;
	[sflag:s4] =	ssyncadd.s32 @!p1 $0xFFFFD800;
	s4 =	sadd.s32 @!p1 $0x80, s14  }
0x70: {  	[spmem:s1] =	stream.indirect.scatter.add.f32 @!p1 [tilespmem:s5], [sflag:$0x8], $0x80, s4, s31, $0xb8;
	[tilespmem:$0x17B80] =	vst v63  }
0x71: {  	s4 =	simm.s32 @!p1 $0x8  }
0x72: {  	_ =	swait.ge @!p1 [sflag:s4], $0x2800  }
0x73: {  	[sflag:s4] =	ssyncset.done @!p1 $0x0  }
0x74: {  	s6 =	sadd.s32 @!p1 $0x1E00, s30;
	[sflag:s4] =	ssyncadd.s32 @!p1 $0xFFFFD800  }
0x75: {  	[tilespmem:s5], [sflag:$0x2] =	stream.linear.gather @!p1 [hbm4b:s6+s3], $0x2800, $0x38;
	[tilespmem:$0x17B80] =	vst v63  }
0x76: {  	_ =	swait.ge [sflag:s28], $0x2800  }
0x77: {  	[sflag:s28] =	ssyncset.done $0x0  }
0x78: {  	s6 =	sadd.s32 $0x100, s14;
	[sflag:s28] =	ssyncadd.s32 $0xFFFFD800  }
0x79: {  	[spmem:s1] =	stream.indirect.scatter.add.f32 [tilespmem:s17], [sflag:$0x8], $0x80, s6, s26, $0xb8;
	[tilespmem:$0x17B80] =	vst v63  }
0x7a: {  	_ =	swait.ge [sflag:s21], $0x2800  }
0x7b: {  	[sflag:s21] =	ssyncset.done $0x0  }
0x7c: {  	s5 =	simm.s32 @p1 $0x4;
	[sflag:s21] =	ssyncadd.s32 $0xFFFFD800  }
0x7d: {  	_ =	swait.ge @p1 [sflag:s5], $0x2800  }
0x7e: {  	[sflag:s5] =	ssyncset.done @p1 $0x0  }
0x7f: {  	s6 =	simm.s32 @p1 $0xDF80;
	[sflag:s5] =	ssyncadd.s32 @p1 $0xFFFFD800;
	s5 =	sadd.s32 @p1 $0x180, s14  }
0x80: {  	[spmem:s1] =	stream.indirect.scatter.add.f32 @p1 [tilespmem:s6], [sflag:$0x8], $0x80, s5, s18, $0xb8;
	[tilespmem:$0x17B80] =	vst v63  }
0x81: {  	_ =	swait.ge @p1 [sflag:s16], $0x2800  }
0x82: {  	[sflag:s16] =	ssyncset.done @p1 $0x0  }
0x83: {  	s5 =	sadd.s32 @!p1 $0x2300, s30;
	s6 =	simm.s32 @!p1 $0xB780;
	[sflag:s16] =	ssyncadd.s32 @p1 $0xFFFFD800  }
0x84: {  	[tilespmem:s6], [sflag:$0x3] =	stream.linear.gather @!p1 [hbm4b:s5+s3], $0x2800, $0x38;
	[tilespmem:$0x17B80] =	vst v63  }
0x85: {  	s5 =	simm.s32 @!p1 $0x4  }
0x86: {  	_ =	swait.ge @!p1 [sflag:s5], $0x2800  }
0x87: {  	[sflag:s5] =	ssyncset.done @!p1 $0x0  }
0x88: {  	s6 =	simm.s32 @!p1 $0xDF80;
	[sflag:s5] =	ssyncadd.s32 @!p1 $0xFFFFD800;
	s5 =	sadd.s32 @!p1 $0x180, s14  }
0x89: {  	[spmem:s1] =	stream.indirect.scatter.add.f32 @!p1 [tilespmem:s6], [sflag:$0x8], $0x80, s5, s31, $0xb8;
	[tilespmem:$0x17B80] =	vst v63  }
0x8a: {  	_ =	swait.ge @!p1 [sflag:s4], $0x2800  }
0x8b: {  	[sflag:s4] =	ssyncset.done @!p1 $0x0  }
0x8c: {  	[sflag:s4] =	ssyncadd.s32 @!p1 $0xFFFFD800;
	s4 =	sadd.s32 @!p1 $0x2800, s30  }
0x8d: {  	[tilespmem:s6], [sflag:$0x4] =	stream.linear.gather @!p1 [hbm4b:s4+s3], $0x2800, $0x38;
	[tilespmem:$0x17B80] =	vst v63  }
0x8e: {  	_ =	swait.ge [sflag:s29], $0x2800  }
0x8f: {  	[sflag:s29] =	ssyncset.done $0x0  }
.Ltmp6:
0x90: {  	s31 =	sadd.s32 $0x200, s14;
	[sflag:s29] =	ssyncadd.s32 $0xFFFFD800;
	(pc) =	sbr.rel @p1 .LBB2_12-.Ltmp6, $4  }
0x91: {  	[spmem:s1] =	stream.indirect.scatter.add.f32 [tilespmem:s19], [sflag:$0x8], $0x80, s31, s26, $0xb8;
	[tilespmem:$0x17B80] =	vst v63  }
0x92: {  	_ =	swait.ge [sflag:s21], $0x2800  }
0x93: {  	[sflag:s21] =	ssyncset.done $0x0  }
0x94: {  	[sflag:s21] =	ssyncadd.s32 $0xFFFFD800  }
.Ltmp7:
0x95: {  	(pc) =	sbr.rel .LBB2_10-.Ltmp7, $4  }
0x96: {  	_ = 	snop  }
0x97: {  	s3 =	sadd.s32 s20, s13  }
0x98: {  	s20 =	sadd.s32 $0x1900, s20;
	s14 =	sadd.s32 $0x280, s14;
	s3 =	sadd.s32 $0x2D00, s3  }
0x99: {  	[tilespmem:s19], [sflag:$0x5] =	stream.linear.gather [hbm4b:s3+s2], $0x2800, $0x38;
	[tilespmem:$0x17B80] =	vst v63  }
.LBB2_13:
0x9a: {  	_ =	sfence.sel $0x180000  }
0x9b: {  	[bflag:$0x0] =	sbarrier.arrive $0xFFFF  }
0x9c: {  	_ =	strace $0x90000047  }
0x9d: {  	[bflag:$0x2] =	sbarrier.arrive $0xFFFF  }
0x9e: {  	s0 =	rddreg [dreg:$0x4]  }
0x9f: {  	s0 =	sadd.s32 @!p0 $0x100000, s0  }
0xa0: {  	[sflag:s0] =	ssyncadd.tile.s32 @!p0 $0x1;
	_ =	shalt  }
.Lfunc_end2:
_tile_overlayer_lowered:
.L_overlay_start_2:
0xa1: {  	(tag) =	ssettag $0x2  }
0xa2: {  	s0 =	rddreg [dreg:$0x0];
	s2 =	stileid.u32  }
0xa3: {  	s1 =	rddreg [dreg:$0x1];
	p0 =	sne.s32 s2, $0x0  }
0xa4: {  	s3 =	rddreg [dreg:$0x2];
	[bflag:$0x3] =	sbarrier.arrive $0xFFFF;
	s2 =	simm.s32 @!p0 $0x1C08  }
0xa5: {  	[timem:s3], [sflag:s2] =	dma.local @!p0 [hbm:s0], s1  }
0xa6: {  	s0 =	simm.s32 @!p0 $0x8  }
0xa7: {  	_ =	swait.ge @!p0 [sflag:s0], s1  }
0xa8: {  	s1 =	ssub.s32 @!p0 $0x0, s1;
	[sflag:s0] =	ssyncset.done @!p0 $0x0  }
0xa9: {  	[sflag:s0] =	ssyncadd.s32 @!p0 s1  }
0xaa: {  	[bflag:$0x3] =	sbarrier.arrive $0xFFFF  }
0xab: {  	_ =	shalt  }

</sc_bundles>
